<compile_context>
chip_gen: v7x
topology: tpu7x:2x2x1
jax: 0.10.2.dev20260603
libtpu: 0.0.44.dev20260713+nightly
codegen_flags: <defaults>
</compile_context>

<pallas_src>
import jax
import jax.numpy as jnp
from jax import lax
from jax.experimental import pallas as pl
from jax.experimental.pallas import tpu as pltpu
from jax.experimental.pallas import tpu_sc as plsc

NUM_ENT = 1000000
EMB_DIM = 64
BATCH = 16384
NC = 2
NS = 16
NW = NC * NS
BPW = BATCH // NW
NIDS = 5
CHUNK = 128
NCHUNK = NIDS * BPW // CHUNK
RPW = BPW // CHUNK

LBLK = 40960


def _tc_body(x_ref, v_ref):
    x = x_ref[...]
    s = jnp.sum(x, axis=0)
    q = jnp.sum(x * x, axis=0)
    v_ref[...] = s * lax.rsqrt(q)


def _sc_body(ids_t_hbm, ids_f_hbm, v_hbm, out_t, out_hf, out_tf,
             idx_v, s_v, ot_v, ohf_v, otf_v, sem, sem2):
    w = lax.axis_index("s") * NC + lax.axis_index("c")

    staged = []
    for k in range(3):
        staged.append(pltpu.async_copy(ids_t_hbm.at[k, pl.ds(w * RPW, RPW)],
                                       idx_v.at[pl.ds(k * RPW, RPW)], sem2))
    for k in range(2):
        staged.append(pltpu.async_copy(ids_f_hbm.at[k, pl.ds(w * RPW, RPW)],
                                       idx_v.at[pl.ds((3 + k) * RPW, RPW)],
                                       sem2))
    for cp in staged:
        cp.wait()

    gathers = [
        pltpu.async_copy(v_hbm.at[idx_v.at[c]],
                         s_v.at[pl.ds(c * CHUNK, CHUNK)], sem)
        for c in range(NCHUNK)
    ]
    for cp in gathers:
        cp.wait()

    def comb_body(i, carry):
        o = i * 16
        sh = s_v[pl.ds(o, 16)]
        sr = s_v[pl.ds(BPW + o, 16)]
        st = s_v[pl.ds(2 * BPW + o, 16)]
        shf = s_v[pl.ds(3 * BPW + o, 16)]
        stf = s_v[pl.ds(4 * BPW + o, 16)]
        ot_v[pl.ds(o, 16)] = sh + sr - st
        ohf_v[pl.ds(o, 16)] = shf + sr - st
        otf_v[pl.ds(o, 16)] = sh + sr - stf
        return carry

    lax.fori_loop(0, BPW // 16, comb_body, 0)

    base = w * BPW
    pltpu.sync_copy(ot_v, out_t.at[pl.ds(base, BPW)])
    pltpu.sync_copy(ohf_v, out_hf.at[pl.ds(base, BPW)])
    pltpu.sync_copy(otf_v, out_tf.at[pl.ds(base, BPW)])


def kernel(ids_true_batch, ids_false_batch, ent_table):
    tbl_t = ent_table.T

    grid = pl.cdiv(NUM_ENT, LBLK)
    v = pl.pallas_call(
        _tc_body,
        grid=(grid,),
        in_specs=[pl.BlockSpec((EMB_DIM, LBLK), lambda i: (0, i))],
        out_specs=pl.BlockSpec((LBLK,), lambda i: (i,)),
        out_shape=jax.ShapeDtypeStruct((NUM_ENT,), jnp.float32),
    )(tbl_t)

    ids_t = ids_true_batch.astype(jnp.int32).reshape(3, BATCH // CHUNK, CHUNK)
    ids_f = ids_false_batch.astype(jnp.int32).reshape(2, BATCH // CHUNK, CHUNK)

    mesh = plsc.VectorSubcoreMesh(core_axis_name="c", subcore_axis_name="s")
    fn = pl.kernel(
        _sc_body,
        mesh=mesh,
        compiler_params=pltpu.CompilerParams(
            needs_layout_passes=False, use_tc_tiling_on_sc=False
        ),
        out_type=[jax.ShapeDtypeStruct((BATCH,), jnp.float32)] * 3,
        scratch_types=[
            pltpu.VMEM((NCHUNK, CHUNK), jnp.int32),
            pltpu.VMEM((NIDS * BPW,), jnp.float32),
            pltpu.VMEM((BPW,), jnp.float32),
            pltpu.VMEM((BPW,), jnp.float32),
            pltpu.VMEM((BPW,), jnp.float32),
            pltpu.SemaphoreType.DMA,
            pltpu.SemaphoreType.DMA,
        ],
    )
    t, hf, tf = fn(ids_t, ids_f, v)
    return (t, hf, tf)

# --- scband reference (transcript-rebuilt; emitter-appended) ---
"""Pipeline reference for scband-trans-e-19181323944285 (READ-ONLY COPY).

The authoritative reference and input builder live on the scoring server;
editing this copy changes nothing except your own understanding.
"""

import jax, jax.numpy as jnp
import numpy as np

NUM_ENT = 1000000
NUM_REL = 1000
EMB_DIM = 64
BATCH = 16384


def setup_inputs(seed: int = 0) -> dict:
    key = jax.random.key(seed)
    k1, k2, k3 = jax.random.split(key, 3)
    ids_true_batch = jax.random.randint(k1, (3, BATCH), 0, NUM_ENT, dtype=jnp.int64) if jax.config.jax_enable_x64 else jax.random.randint(k1, (3, BATCH), 0, NUM_ENT).astype(jnp.int32)
    ids_false_batch = jax.random.randint(k2, (2, BATCH), 0, NUM_ENT).astype(ids_true_batch.dtype)
    initrange = 6.0 / (EMB_DIM ** 0.5)
    ent_table = jax.random.uniform(k3, (NUM_ENT, EMB_DIM), dtype=jnp.float32, minval=-initrange, maxval=initrange)
    return {"ids_true_batch": ids_true_batch, "ids_false_batch": ids_false_batch, "ent_table": ent_table}


def reference(ids_true_batch, ids_false_batch, ent_table):
    # batch_score first L2-normalizes the entity embedding table (in torch: in-place, no_grad)
    ent_n = ent_table / jnp.linalg.norm(ent_table, ord=2, axis=1, keepdims=True)
    # NOTE: original code's get_relations_embeddings erroneously indexes the ENTITY table;
    # we faithfully reproduce that behavior.
    h_true = jnp.take(ent_n, ids_true_batch[0], axis=0)
    r_true = jnp.take(ent_n, ids_true_batch[1], axis=0)
    t_true = jnp.take(ent_n, ids_true_batch[2], axis=0)
    h_false = jnp.take(ent_n, ids_false_batch[0], axis=0)
    t_false = jnp.take(ent_n, ids_false_batch[1], axis=0)
    true_score = jnp.sum(h_true + r_true - t_true, axis=1)
    head_false_score = jnp.sum(h_false + r_true - t_true, axis=1)
    tail_false_score = jnp.sum(h_true + r_true - t_false, axis=1)
    return (true_score, head_false_score, tail_false_score)

if __name__ == "__main__":
    import jax
    _d = setup_inputs()
    print(jax.jit(kernel)(*tuple(_d.values())))

</pallas_src>

<mosaic_0001>
#map = affine_map<(d0, d1) -> (0, 0, 0)>
#map1 = affine_map<(d0, d1) -> (0)>
module attributes {stable_mosaic.version = 14 : i64} {
  func.func @_sc_body(%arg0: i32, %arg1: i32, %arg2: memref<3x128x128xi32, #tpu.memory_space<hbm>>, %arg3: memref<2x128x128xi32, #tpu.memory_space<hbm>>, %arg4: memref<1000000xf32, #tpu.memory_space<hbm>>, %arg5: memref<16384xf32, #tpu.memory_space<hbm>>, %arg6: memref<16384xf32, #tpu.memory_space<hbm>>, %arg7: memref<16384xf32, #tpu.memory_space<hbm>>, %arg8: memref<20x128xi32, #tpu.memory_space<vmem>>, %arg9: memref<2560xf32, #tpu.memory_space<vmem>>, %arg10: memref<512xf32, #tpu.memory_space<vmem>>, %arg11: memref<512xf32, #tpu.memory_space<vmem>>, %arg12: memref<512xf32, #tpu.memory_space<vmem>>, %arg13: memref<!tpu.dma_semaphore, #tpu.memory_space<semaphore_mem>>, %arg14: memref<!tpu.dma_semaphore, #tpu.memory_space<semaphore_mem>>) attributes {dimension_semantics = [#tpu.dimension_semantics<core_parallel>, #tpu.dimension_semantics<subcore_parallel>], iteration_bounds = array<i64: 2, 16>, scalar_prefetch = 0 : i64, scratch_operands = 7 : i64, tpu.core_type = #tpu.core_type<sc_vector_subcore>, window_params = [{transform_indices = #map}, {transform_indices = #map}, {transform_indices = #map1}, {transform_indices = #map1}, {transform_indices = #map1}, {transform_indices = #map1}]} {
    %mul3A = arith.constant 2 : i32
    %mul3A_0 = arith.muli %arg1, %mul3A : i32
    %add3A = arith.addi %mul3A_0, %arg0 : i32
    %mul3A_1 = arith.constant 4 : i32
    %mul3A_2 = arith.muli %add3A, %mul3A_1 : i32
    %dma_start3A = arith.constant 0 : i32
    %dma_start3A_3 = arith.constant 0 : i32
    %dma_start3A_4 = arith.constant 0 : i32
    %dma_start3A_5 = tpu.memref_slice %arg8[%dma_start3A_3, %dma_start3A_4] : memref<20x128xi32, #tpu.memory_space<vmem>> -> memref<4x128xi32, #tpu.memory_space<vmem>>
    %dma_start3A_6 = arith.constant 0 : i32
    %dma_start3A_7 = tpu.memref_slice %arg2[%dma_start3A, %mul3A_2, %dma_start3A_6] : memref<3x128x128xi32, #tpu.memory_space<hbm>> -> memref<1x4x128xi32, #tpu.memory_space<hbm>>
    %dma_start3A_8 = tpu.memref_squeeze %dma_start3A_7 : memref<1x4x128xi32, #tpu.memory_space<hbm>> -> memref<4x128xi32, #tpu.memory_space<hbm>>
    %dma_start3A_9 = arith.constant 0 : i32
    %dma_start3A_10 = arith.constant 0 : i32
    %dma_start3A_11 = tpu.memref_slice %arg8[%dma_start3A_9, %dma_start3A_10] : memref<20x128xi32, #tpu.memory_space<vmem>> -> memref<4x128xi32, #tpu.memory_space<vmem>>
    %dma_start3A_12 = arith.constant 0 : i32
    %dma_start3A_13 = tpu.memref_slice %arg2[%dma_start3A, %mul3A_2, %dma_start3A_12] : memref<3x128x128xi32, #tpu.memory_space<hbm>> -> memref<1x4x128xi32, #tpu.memory_space<hbm>>
    %dma_start3A_14 = tpu.memref_squeeze %dma_start3A_13 : memref<1x4x128xi32, #tpu.memory_space<hbm>> -> memref<4x128xi32, #tpu.memory_space<hbm>>
    tpu.enqueue_dma source(%dma_start3A_14 : memref<4x128xi32, #tpu.memory_space<hbm>>) target(%dma_start3A_11 : memref<4x128xi32, #tpu.memory_space<vmem>>) target_semaphore(%arg14 : memref<!tpu.dma_semaphore, #tpu.memory_space<semaphore_mem>>)
    %mul3A_15 = arith.constant 4 : i32
    %mul3A_16 = arith.muli %add3A, %mul3A_15 : i32
    %dma_start3A_17 = arith.constant 1 : i32
    %dma_start3A_18 = arith.constant 4 : i32
    %dma_start3A_19 = arith.constant 0 : i32
    %dma_start3A_20 = tpu.memref_slice %arg8[%dma_start3A_18, %dma_start3A_19] : memref<20x128xi32, #tpu.memory_space<vmem>> -> memref<4x128xi32, #tpu.memory_space<vmem>>
    %dma_start3A_21 = arith.constant 0 : i32
    %dma_start3A_22 = tpu.memref_slice %arg2[%dma_start3A_17, %mul3A_16, %dma_start3A_21] : memref<3x128x128xi32, #tpu.memory_space<hbm>> -> memref<1x4x128xi32, #tpu.memory_space<hbm>>
    %dma_start3A_23 = tpu.memref_squeeze %dma_start3A_22 : memref<1x4x128xi32, #tpu.memory_space<hbm>> -> memref<4x128xi32, #tpu.memory_space<hbm>>
    %dma_start3A_24 = arith.constant 4 : i32
    %dma_start3A_25 = arith.constant 0 : i32
    %dma_start3A_26 = tpu.memref_slice %arg8[%dma_start3A_24, %dma_start3A_25] : memref<20x128xi32, #tpu.memory_space<vmem>> -> memref<4x128xi32, #tpu.memory_space<vmem>>
    %dma_start3A_27 = arith.constant 0 : i32
    %dma_start3A_28 = tpu.memref_slice %arg2[%dma_start3A_17, %mul3A_16, %dma_start3A_27] : memref<3x128x128xi32, #tpu.memory_space<hbm>> -> memref<1x4x128xi32, #tpu.memory_space<hbm>>
    %dma_start3A_29 = tpu.memref_squeeze %dma_start3A_28 : memref<1x4x128xi32, #tpu.memory_space<hbm>> -> memref<4x128xi32, #tpu.memory_space<hbm>>
    tpu.enqueue_dma source(%dma_start3A_29 : memref<4x128xi32, #tpu.memory_space<hbm>>) target(%dma_start3A_26 : memref<4x128xi32, #tpu.memory_space<vmem>>) target_semaphore(%arg14 : memref<!tpu.dma_semaphore, #tpu.memory_space<semaphore_mem>>)
    %mul3A_30 = arith.constant 4 : i32
    %mul3A_31 = arith.muli %add3A, %mul3A_30 : i32
    %dma_start3A_32 = arith.constant 2 : i32
    %dma_start3A_33 = arith.constant 8 : i32
    %dma_start3A_34 = arith.constant 0 : i32
    %dma_start3A_35 = tpu.memref_slice %arg8[%dma_start3A_33, %dma_start3A_34] : memref<20x128xi32, #tpu.memory_space<vmem>> -> memref<4x128xi32, #tpu.memory_space<vmem>>
    %dma_start3A_36 = arith.constant 0 : i32
    %dma_start3A_37 = tpu.memref_slice %arg2[%dma_start3A_32, %mul3A_31, %dma_start3A_36] : memref<3x128x128xi32, #tpu.memory_space<hbm>> -> memref<1x4x128xi32, #tpu.memory_space<hbm>>
    %dma_start3A_38 = tpu.memref_squeeze %dma_start3A_37 : memref<1x4x128xi32, #tpu.memory_space<hbm>> -> memref<4x128xi32, #tpu.memory_space<hbm>>
    %dma_start3A_39 = arith.constant 8 : i32
    %dma_start3A_40 = arith.constant 0 : i32
    %dma_start3A_41 = tpu.memref_slice %arg8[%dma_start3A_39, %dma_start3A_40] : memref<20x128xi32, #tpu.memory_space<vmem>> -> memref<4x128xi32, #tpu.memory_space<vmem>>
    %dma_start3A_42 = arith.constant 0 : i32
    %dma_start3A_43 = tpu.memref_slice %arg2[%dma_start3A_32, %mul3A_31, %dma_start3A_42] : memref<3x128x128xi32, #tpu.memory_space<hbm>> -> memref<1x4x128xi32, #tpu.memory_space<hbm>>
    %dma_start3A_44 = tpu.memref_squeeze %dma_start3A_43 : memref<1x4x128xi32, #tpu.memory_space<hbm>> -> memref<4x128xi32, #tpu.memory_space<hbm>>
    tpu.enqueue_dma source(%dma_start3A_44 : memref<4x128xi32, #tpu.memory_space<hbm>>) target(%dma_start3A_41 : memref<4x128xi32, #tpu.memory_space<vmem>>) target_semaphore(%arg14 : memref<!tpu.dma_semaphore, #tpu.memory_space<semaphore_mem>>)
    %mul3A_45 = arith.constant 4 : i32
    %mul3A_46 = arith.muli %add3A, %mul3A_45 : i32
    %dma_start3A_47 = arith.constant 0 : i32
    %dma_start3A_48 = arith.constant 12 : i32
    %dma_start3A_49 = arith.constant 0 : i32
    %dma_start3A_50 = tpu.memref_slice %arg8[%dma_start3A_48, %dma_start3A_49] : memref<20x128xi32, #tpu.memory_space<vmem>> -> memref<4x128xi32, #tpu.memory_space<vmem>>
    %dma_start3A_51 = arith.constant 0 : i32
    %dma_start3A_52 = tpu.memref_slice %arg3[%dma_start3A_47, %mul3A_46, %dma_start3A_51] : memref<2x128x128xi32, #tpu.memory_space<hbm>> -> memref<1x4x128xi32, #tpu.memory_space<hbm>>
    %dma_start3A_53 = tpu.memref_squeeze %dma_start3A_52 : memref<1x4x128xi32, #tpu.memory_space<hbm>> -> memref<4x128xi32, #tpu.memory_space<hbm>>
    %dma_start3A_54 = arith.constant 12 : i32
    %dma_start3A_55 = arith.constant 0 : i32
    %dma_start3A_56 = tpu.memref_slice %arg8[%dma_start3A_54, %dma_start3A_55] : memref<20x128xi32, #tpu.memory_space<vmem>> -> memref<4x128xi32, #tpu.memory_space<vmem>>
    %dma_start3A_57 = arith.constant 0 : i32
    %dma_start3A_58 = tpu.memref_slice %arg3[%dma_start3A_47, %mul3A_46, %dma_start3A_57] : memref<2x128x128xi32, #tpu.memory_space<hbm>> -> memref<1x4x128xi32, #tpu.memory_space<hbm>>
    %dma_start3A_59 = tpu.memref_squeeze %dma_start3A_58 : memref<1x4x128xi32, #tpu.memory_space<hbm>> -> memref<4x128xi32, #tpu.memory_space<hbm>>
    tpu.enqueue_dma source(%dma_start3A_59 : memref<4x128xi32, #tpu.memory_space<hbm>>) target(%dma_start3A_56 : memref<4x128xi32, #tpu.memory_space<vmem>>) target_semaphore(%arg14 : memref<!tpu.dma_semaphore, #tpu.memory_space<semaphore_mem>>)
    %mul3A_60 = arith.constant 4 : i32
    %mul3A_61 = arith.muli %add3A, %mul3A_60 : i32
    %dma_start3A_62 = arith.constant 1 : i32
    %dma_start3A_63 = arith.constant 16 : i32
    %dma_start3A_64 = arith.constant 0 : i32
    %dma_start3A_65 = tpu.memref_slice %arg8[%dma_start3A_63, %dma_start3A_64] : memref<20x128xi32, #tpu.memory_space<vmem>> -> memref<4x128xi32, #tpu.memory_space<vmem>>
    %dma_start3A_66 = arith.constant 0 : i32
    %dma_start3A_67 = tpu.memref_slice %arg3[%dma_start3A_62, %mul3A_61, %dma_start3A_66] : memref<2x128x128xi32, #tpu.memory_space<hbm>> -> memref<1x4x128xi32, #tpu.memory_space<hbm>>
    %dma_start3A_68 = tpu.memref_squeeze %dma_start3A_67 : memref<1x4x128xi32, #tpu.memory_space<hbm>> -> memref<4x128xi32, #tpu.memory_space<hbm>>
    %dma_start3A_69 = arith.constant 16 : i32
    %dma_start3A_70 = arith.constant 0 : i32
    %dma_start3A_71 = tpu.memref_slice %arg8[%dma_start3A_69, %dma_start3A_70] : memref<20x128xi32, #tpu.memory_space<vmem>> -> memref<4x128xi32, #tpu.memory_space<vmem>>
    %dma_start3A_72 = arith.constant 0 : i32
    %dma_start3A_73 = tpu.memref_slice %arg3[%dma_start3A_62, %mul3A_61, %dma_start3A_72] : memref<2x128x128xi32, #tpu.memory_space<hbm>> -> memref<1x4x128xi32, #tpu.memory_space<hbm>>
    %dma_start3A_74 = tpu.memref_squeeze %dma_start3A_73 : memref<1x4x128xi32, #tpu.memory_space<hbm>> -> memref<4x128xi32, #tpu.memory_space<hbm>>
    tpu.enqueue_dma source(%dma_start3A_74 : memref<4x128xi32, #tpu.memory_space<hbm>>) target(%dma_start3A_71 : memref<4x128xi32, #tpu.memory_space<vmem>>) target_semaphore(%arg14 : memref<!tpu.dma_semaphore, #tpu.memory_space<semaphore_mem>>)
    %dma_wait3A = arith.constant 0 : i32
    %dma_wait3A_75 = arith.constant 0 : i32
    %dma_wait3A_76 = arith.constant 0 : i32
    %dma_wait3A_77 = tpu.memref_slice %arg8[%dma_wait3A_75, %dma_wait3A_76] : memref<20x128xi32, #tpu.memory_space<vmem>> -> memref<4x128xi32, #tpu.memory_space<vmem>>
    %dma_wait3A_78 = arith.constant 0 : i32
    %dma_wait3A_79 = tpu.memref_slice %arg2[%dma_wait3A, %mul3A_2, %dma_wait3A_78] : memref<3x128x128xi32, #tpu.memory_space<hbm>> -> memref<1x4x128xi32, #tpu.memory_space<hbm>>
    %dma_wait3A_80 = tpu.memref_squeeze %dma_wait3A_79 : memref<1x4x128xi32, #tpu.memory_space<hbm>> -> memref<4x128xi32, #tpu.memory_space<hbm>>
    %dma_wait3A_81 = arith.constant 0 : i32
    %dma_wait3A_82 = arith.constant 0 : i32
    %dma_wait3A_83 = tpu.memref_slice %arg8[%dma_wait3A_81, %dma_wait3A_82] : memref<20x128xi32, #tpu.memory_space<vmem>> -> memref<4x128xi32, #tpu.memory_space<vmem>>
    %dma_wait3A_84 = arith.constant 0 : i32
    %dma_wait3A_85 = tpu.memref_slice %arg2[%dma_wait3A, %mul3A_2, %dma_wait3A_84] : memref<3x128x128xi32, #tpu.memory_space<hbm>> -> memref<1x4x128xi32, #tpu.memory_space<hbm>>
    %dma_wait3A_86 = tpu.memref_squeeze %dma_wait3A_85 : memref<1x4x128xi32, #tpu.memory_space<hbm>> -> memref<4x128xi32, #tpu.memory_space<hbm>>
    tpu.wait_dma2 semaphore(%arg14 : memref<!tpu.dma_semaphore, #tpu.memory_space<semaphore_mem>>) src(%dma_wait3A_86 : memref<4x128xi32, #tpu.memory_space<hbm>>) dst(%dma_wait3A_83 : memref<4x128xi32, #tpu.memory_space<vmem>>)
    %dma_wait3A_87 = arith.constant 1 : i32
    %dma_wait3A_88 = arith.constant 4 : i32
    %dma_wait3A_89 = arith.constant 0 : i32
    %dma_wait3A_90 = tpu.memref_slice %arg8[%dma_wait3A_88, %dma_wait3A_89] : memref<20x128xi32, #tpu.memory_space<vmem>> -> memref<4x128xi32, #tpu.memory_space<vmem>>
    %dma_wait3A_91 = arith.constant 0 : i32
    %dma_wait3A_92 = tpu.memref_slice %arg2[%dma_wait3A_87, %mul3A_16, %dma_wait3A_91] : memref<3x128x128xi32, #tpu.memory_space<hbm>> -> memref<1x4x128xi32, #tpu.memory_space<hbm>>
    %dma_wait3A_93 = tpu.memref_squeeze %dma_wait3A_92 : memref<1x4x128xi32, #tpu.memory_space<hbm>> -> memref<4x128xi32, #tpu.memory_space<hbm>>
    %dma_wait3A_94 = arith.constant 4 : i32
    %dma_wait3A_95 = arith.constant 0 : i32
    %dma_wait3A_96 = tpu.memref_slice %arg8[%dma_wait3A_94, %dma_wait3A_95] : memref<20x128xi32, #tpu.memory_space<vmem>> -> memref<4x128xi32, #tpu.memory_space<vmem>>
    %dma_wait3A_97 = arith.constant 0 : i32
    %dma_wait3A_98 = tpu.memref_slice %arg2[%dma_wait3A_87, %mul3A_16, %dma_wait3A_97] : memref<3x128x128xi32, #tpu.memory_space<hbm>> -> memref<1x4x128xi32, #tpu.memory_space<hbm>>
    %dma_wait3A_99 = tpu.memref_squeeze %dma_wait3A_98 : memref<1x4x128xi32, #tpu.memory_space<hbm>> -> memref<4x128xi32, #tpu.memory_space<hbm>>
    tpu.wait_dma2 semaphore(%arg14 : memref<!tpu.dma_semaphore, #tpu.memory_space<semaphore_mem>>) src(%dma_wait3A_99 : memref<4x128xi32, #tpu.memory_space<hbm>>) dst(%dma_wait3A_96 : memref<4x128xi32, #tpu.memory_space<vmem>>)
    %dma_wait3A_100 = arith.constant 2 : i32
    %dma_wait3A_101 = arith.constant 8 : i32
    %dma_wait3A_102 = arith.constant 0 : i32
    %dma_wait3A_103 = tpu.memref_slice %arg8[%dma_wait3A_101, %dma_wait3A_102] : memref<20x128xi32, #tpu.memory_space<vmem>> -> memref<4x128xi32, #tpu.memory_space<vmem>>
    %dma_wait3A_104 = arith.constant 0 : i32
    %dma_wait3A_105 = tpu.memref_slice %arg2[%dma_wait3A_100, %mul3A_31, %dma_wait3A_104] : memref<3x128x128xi32, #tpu.memory_space<hbm>> -> memref<1x4x128xi32, #tpu.memory_space<hbm>>
    %dma_wait3A_106 = tpu.memref_squeeze %dma_wait3A_105 : memref<1x4x128xi32, #tpu.memory_space<hbm>> -> memref<4x128xi32, #tpu.memory_space<hbm>>
    %dma_wait3A_107 = arith.constant 8 : i32
    %dma_wait3A_108 = arith.constant 0 : i32
    %dma_wait3A_109 = tpu.memref_slice %arg8[%dma_wait3A_107, %dma_wait3A_108] : memref<20x128xi32, #tpu.memory_space<vmem>> -> memref<4x128xi32, #tpu.memory_space<vmem>>
    %dma_wait3A_110 = arith.constant 0 : i32
    %dma_wait3A_111 = tpu.memref_slice %arg2[%dma_wait3A_100, %mul3A_31, %dma_wait3A_110] : memref<3x128x128xi32, #tpu.memory_space<hbm>> -> memref<1x4x128xi32, #tpu.memory_space<hbm>>
    %dma_wait3A_112 = tpu.memref_squeeze %dma_wait3A_111 : memref<1x4x128xi32, #tpu.memory_space<hbm>> -> memref<4x128xi32, #tpu.memory_space<hbm>>
    tpu.wait_dma2 semaphore(%arg14 : memref<!tpu.dma_semaphore, #tpu.memory_space<semaphore_mem>>) src(%dma_wait3A_112 : memref<4x128xi32, #tpu.memory_space<hbm>>) dst(%dma_wait3A_109 : memref<4x128xi32, #tpu.memory_space<vmem>>)
    %dma_wait3A_113 = arith.constant 0 : i32
    %dma_wait3A_114 = arith.constant 12 : i32
    %dma_wait3A_115 = arith.constant 0 : i32
    %dma_wait3A_116 = tpu.memref_slice %arg8[%dma_wait3A_114, %dma_wait3A_115] : memref<20x128xi32, #tpu.memory_space<vmem>> -> memref<4x128xi32, #tpu.memory_space<vmem>>
    %dma_wait3A_117 = arith.constant 0 : i32
    %dma_wait3A_118 = tpu.memref_slice %arg3[%dma_wait3A_113, %mul3A_46, %dma_wait3A_117] : memref<2x128x128xi32, #tpu.memory_space<hbm>> -> memref<1x4x128xi32, #tpu.memory_space<hbm>>
    %dma_wait3A_119 = tpu.memref_squeeze %dma_wait3A_118 : memref<1x4x128xi32, #tpu.memory_space<hbm>> -> memref<4x128xi32, #tpu.memory_space<hbm>>
    %dma_wait3A_120 = arith.constant 12 : i32
    %dma_wait3A_121 = arith.constant 0 : i32
    %dma_wait3A_122 = tpu.memref_slice %arg8[%dma_wait3A_120, %dma_wait3A_121] : memref<20x128xi32, #tpu.memory_space<vmem>> -> memref<4x128xi32, #tpu.memory_space<vmem>>
    %dma_wait3A_123 = arith.constant 0 : i32
    %dma_wait3A_124 = tpu.memref_slice %arg3[%dma_wait3A_113, %mul3A_46, %dma_wait3A_123] : memref<2x128x128xi32, #tpu.memory_space<hbm>> -> memref<1x4x128xi32, #tpu.memory_space<hbm>>
    %dma_wait3A_125 = tpu.memref_squeeze %dma_wait3A_124 : memref<1x4x128xi32, #tpu.memory_space<hbm>> -> memref<4x128xi32, #tpu.memory_space<hbm>>
    tpu.wait_dma2 semaphore(%arg14 : memref<!tpu.dma_semaphore, #tpu.memory_space<semaphore_mem>>) src(%dma_wait3A_125 : memref<4x128xi32, #tpu.memory_space<hbm>>) dst(%dma_wait3A_122 : memref<4x128xi32, #tpu.memory_space<vmem>>)
    %dma_wait3A_126 = arith.constant 1 : i32
    %dma_wait3A_127 = arith.constant 16 : i32
    %dma_wait3A_128 = arith.constant 0 : i32
    %dma_wait3A_129 = tpu.memref_slice %arg8[%dma_wait3A_127, %dma_wait3A_128] : memref<20x128xi32, #tpu.memory_space<vmem>> -> memref<4x128xi32, #tpu.memory_space<vmem>>
    %dma_wait3A_130 = arith.constant 0 : i32
    %dma_wait3A_131 = tpu.memref_slice %arg3[%dma_wait3A_126, %mul3A_61, %dma_wait3A_130] : memref<2x128x128xi32, #tpu.memory_space<hbm>> -> memref<1x4x128xi32, #tpu.memory_space<hbm>>
    %dma_wait3A_132 = tpu.memref_squeeze %dma_wait3A_131 : memref<1x4x128xi32, #tpu.memory_space<hbm>> -> memref<4x128xi32, #tpu.memory_space<hbm>>
    %dma_wait3A_133 = arith.constant 16 : i32
    %dma_wait3A_134 = arith.constant 0 : i32
    %dma_wait3A_135 = tpu.memref_slice %arg8[%dma_wait3A_133, %dma_wait3A_134] : memref<20x128xi32, #tpu.memory_space<vmem>> -> memref<4x128xi32, #tpu.memory_space<vmem>>
    %dma_wait3A_136 = arith.constant 0 : i32
    %dma_wait3A_137 = tpu.memref_slice %arg3[%dma_wait3A_126, %mul3A_61, %dma_wait3A_136] : memref<2x128x128xi32, #tpu.memory_space<hbm>> -> memref<1x4x128xi32, #tpu.memory_space<hbm>>
    %dma_wait3A_138 = tpu.memref_squeeze %dma_wait3A_137 : memref<1x4x128xi32, #tpu.memory_space<hbm>> -> memref<4x128xi32, #tpu.memory_space<hbm>>
    tpu.wait_dma2 semaphore(%arg14 : memref<!tpu.dma_semaphore, #tpu.memory_space<semaphore_mem>>) src(%dma_wait3A_138 : memref<4x128xi32, #tpu.memory_space<hbm>>) dst(%dma_wait3A_135 : memref<4x128xi32, #tpu.memory_space<vmem>>)
    %dma_start3A_139 = arith.constant 0 : i32
    %dma_start3A_140 = arith.constant 0 : i32
    %dma_start3A_141 = tpu.memref_slice %arg9[%dma_start3A_140] : memref<2560xf32, #tpu.memory_space<vmem>> -> memref<128xf32, #tpu.memory_space<vmem>>
    %dma_start3A_142 = arith.constant 0 : i32
    %dma_start3A_143 = tpu.memref_slice %arg8[%dma_start3A_139, %dma_start3A_142] : memref<20x128xi32, #tpu.memory_space<vmem>> -> memref<1x128xi32, #tpu.memory_space<vmem>>
    %dma_start3A_144 = tpu.memref_squeeze %dma_start3A_143 : memref<1x128xi32, #tpu.memory_space<vmem>> -> memref<128xi32, #tpu.memory_space<vmem>>
    %dma_start3A_145 = arith.constant 0 : i32
    %dma_start3A_146 = tpu.memref_slice %arg4[%dma_start3A_145] : memref<1000000xf32, #tpu.memory_space<hbm>> -> memref<1000000xf32, #tpu.memory_space<hbm>>
    tpu.enqueue_indirect_dma source(%dma_start3A_146 : memref<1000000xf32, #tpu.memory_space<hbm>>) target(%dma_start3A_141 : memref<128xf32, #tpu.memory_space<vmem>>) offsets(%dma_start3A_144 : memref<128xi32, #tpu.memory_space<vmem>>) semaphore(%arg13 : memref<!tpu.dma_semaphore, #tpu.memory_space<semaphore_mem>>)
    %dma_start3A_147 = arith.constant 1 : i32
    %dma_start3A_148 = arith.constant 128 : i32
    %dma_start3A_149 = tpu.memref_slice %arg9[%dma_start3A_148] : memref<2560xf32, #tpu.memory_space<vmem>> -> memref<128xf32, #tpu.memory_space<vmem>>
    %dma_start3A_150 = arith.constant 0 : i32
    %dma_start3A_151 = tpu.memref_slice %arg8[%dma_start3A_147, %dma_start3A_150] : memref<20x128xi32, #tpu.memory_space<vmem>> -> memref<1x128xi32, #tpu.memory_space<vmem>>
    %dma_start3A_152 = tpu.memref_squeeze %dma_start3A_151 : memref<1x128xi32, #tpu.memory_space<vmem>> -> memref<128xi32, #tpu.memory_space<vmem>>
    %dma_start3A_153 = arith.constant 0 : i32
    %dma_start3A_154 = tpu.memref_slice %arg4[%dma_start3A_153] : memref<1000000xf32, #tpu.memory_space<hbm>> -> memref<1000000xf32, #tpu.memory_space<hbm>>
    tpu.enqueue_indirect_dma source(%dma_start3A_154 : memref<1000000xf32, #tpu.memory_space<hbm>>) target(%dma_start3A_149 : memref<128xf32, #tpu.memory_space<vmem>>) offsets(%dma_start3A_152 : memref<128xi32, #tpu.memory_space<vmem>>) semaphore(%arg13 : memref<!tpu.dma_semaphore, #tpu.memory_space<semaphore_mem>>)
    %dma_start3A_155 = arith.constant 2 : i32
    %dma_start3A_156 = arith.constant 256 : i32
    %dma_start3A_157 = tpu.memref_slice %arg9[%dma_start3A_156] : memref<2560xf32, #tpu.memory_space<vmem>> -> memref<128xf32, #tpu.memory_space<vmem>>
    %dma_start3A_158 = arith.constant 0 : i32
    %dma_start3A_159 = tpu.memref_slice %arg8[%dma_start3A_155, %dma_start3A_158] : memref<20x128xi32, #tpu.memory_space<vmem>> -> memref<1x128xi32, #tpu.memory_space<vmem>>
    %dma_start3A_160 = tpu.memref_squeeze %dma_start3A_159 : memref<1x128xi32, #tpu.memory_space<vmem>> -> memref<128xi32, #tpu.memory_space<vmem>>
    %dma_start3A_161 = arith.constant 0 : i32
    %dma_start3A_162 = tpu.memref_slice %arg4[%dma_start3A_161] : memref<1000000xf32, #tpu.memory_space<hbm>> -> memref<1000000xf32, #tpu.memory_space<hbm>>
    tpu.enqueue_indirect_dma source(%dma_start3A_162 : memref<1000000xf32, #tpu.memory_space<hbm>>) target(%dma_start3A_157 : memref<128xf32, #tpu.memory_space<vmem>>) offsets(%dma_start3A_160 : memref<128xi32, #tpu.memory_space<vmem>>) semaphore(%arg13 : memref<!tpu.dma_semaphore, #tpu.memory_space<semaphore_mem>>)
    %dma_start3A_163 = arith.constant 3 : i32
    %dma_start3A_164 = arith.constant 384 : i32
    %dma_start3A_165 = tpu.memref_slice %arg9[%dma_start3A_164] : memref<2560xf32, #tpu.memory_space<vmem>> -> memref<128xf32, #tpu.memory_space<vmem>>
    %dma_start3A_166 = arith.constant 0 : i32
    %dma_start3A_167 = tpu.memref_slice %arg8[%dma_start3A_163, %dma_start3A_166] : memref<20x128xi32, #tpu.memory_space<vmem>> -> memref<1x128xi32, #tpu.memory_space<vmem>>
    %dma_start3A_168 = tpu.memref_squeeze %dma_start3A_167 : memref<1x128xi32, #tpu.memory_space<vmem>> -> memref<128xi32, #tpu.memory_space<vmem>>
    %dma_start3A_169 = arith.constant 0 : i32
    %dma_start3A_170 = tpu.memref_slice %arg4[%dma_start3A_169] : memref<1000000xf32, #tpu.memory_space<hbm>> -> memref<1000000xf32, #tpu.memory_space<hbm>>
    tpu.enqueue_indirect_dma source(%dma_start3A_170 : memref<1000000xf32, #tpu.memory_space<hbm>>) target(%dma_start3A_165 : memref<128xf32, #tpu.memory_space<vmem>>) offsets(%dma_start3A_168 : memref<128xi32, #tpu.memory_space<vmem>>) semaphore(%arg13 : memref<!tpu.dma_semaphore, #tpu.memory_space<semaphore_mem>>)
    %dma_start3A_171 = arith.constant 4 : i32
    %dma_start3A_172 = arith.constant 512 : i32
    %dma_start3A_173 = tpu.memref_slice %arg9[%dma_start3A_172] : memref<2560xf32, #tpu.memory_space<vmem>> -> memref<128xf32, #tpu.memory_space<vmem>>
    %dma_start3A_174 = arith.constant 0 : i32
    %dma_start3A_175 = tpu.memref_slice %arg8[%dma_start3A_171, %dma_start3A_174] : memref<20x128xi32, #tpu.memory_space<vmem>> -> memref<1x128xi32, #tpu.memory_space<vmem>>
    %dma_start3A_176 = tpu.memref_squeeze %dma_start3A_175 : memref<1x128xi32, #tpu.memory_space<vmem>> -> memref<128xi32, #tpu.memory_space<vmem>>
    %dma_start3A_177 = arith.constant 0 : i32
    %dma_start3A_178 = tpu.memref_slice %arg4[%dma_start3A_177] : memref<1000000xf32, #tpu.memory_space<hbm>> -> memref<1000000xf32, #tpu.memory_space<hbm>>
    tpu.enqueue_indirect_dma source(%dma_start3A_178 : memref<1000000xf32, #tpu.memory_space<hbm>>) target(%dma_start3A_173 : memref<128xf32, #tpu.memory_space<vmem>>) offsets(%dma_start3A_176 : memref<128xi32, #tpu.memory_space<vmem>>) semaphore(%arg13 : memref<!tpu.dma_semaphore, #tpu.memory_space<semaphore_mem>>)
    %dma_start3A_179 = arith.constant 5 : i32
    %dma_start3A_180 = arith.constant 640 : i32
    %dma_start3A_181 = tpu.memref_slice %arg9[%dma_start3A_180] : memref<2560xf32, #tpu.memory_space<vmem>> -> memref<128xf32, #tpu.memory_space<vmem>>
    %dma_start3A_182 = arith.constant 0 : i32
    %dma_start3A_183 = tpu.memref_slice %arg8[%dma_start3A_179, %dma_start3A_182] : memref<20x128xi32, #tpu.memory_space<vmem>> -> memref<1x128xi32, #tpu.memory_space<vmem>>
    %dma_start3A_184 = tpu.memref_squeeze %dma_start3A_183 : memref<1x128xi32, #tpu.memory_space<vmem>> -> memref<128xi32, #tpu.memory_space<vmem>>
    %dma_start3A_185 = arith.constant 0 : i32
    %dma_start3A_186 = tpu.memref_slice %arg4[%dma_start3A_185] : memref<1000000xf32, #tpu.memory_space<hbm>> -> memref<1000000xf32, #tpu.memory_space<hbm>>
    tpu.enqueue_indirect_dma source(%dma_start3A_186 : memref<1000000xf32, #tpu.memory_space<hbm>>) target(%dma_start3A_181 : memref<128xf32, #tpu.memory_space<vmem>>) offsets(%dma_start3A_184 : memref<128xi32, #tpu.memory_space<vmem>>) semaphore(%arg13 : memref<!tpu.dma_semaphore, #tpu.memory_space<semaphore_mem>>)
    %dma_start3A_187 = arith.constant 6 : i32
    %dma_start3A_188 = arith.constant 768 : i32
    %dma_start3A_189 = tpu.memref_slice %arg9[%dma_start3A_188] : memref<2560xf32, #tpu.memory_space<vmem>> -> memref<128xf32, #tpu.memory_space<vmem>>
    %dma_start3A_190 = arith.constant 0 : i32
    %dma_start3A_191 = tpu.memref_slice %arg8[%dma_start3A_187, %dma_start3A_190] : memref<20x128xi32, #tpu.memory_space<vmem>> -> memref<1x128xi32, #tpu.memory_space<vmem>>
    %dma_start3A_192 = tpu.memref_squeeze %dma_start3A_191 : memref<1x128xi32, #tpu.memory_space<vmem>> -> memref<128xi32, #tpu.memory_space<vmem>>
    %dma_start3A_193 = arith.constant 0 : i32
    %dma_start3A_194 = tpu.memref_slice %arg4[%dma_start3A_193] : memref<1000000xf32, #tpu.memory_space<hbm>> -> memref<1000000xf32, #tpu.memory_space<hbm>>
    tpu.enqueue_indirect_dma source(%dma_start3A_194 : memref<1000000xf32, #tpu.memory_space<hbm>>) target(%dma_start3A_189 : memref<128xf32, #tpu.memory_space<vmem>>) offsets(%dma_start3A_192 : memref<128xi32, #tpu.memory_space<vmem>>) semaphore(%arg13 : memref<!tpu.dma_semaphore, #tpu.memory_space<semaphore_mem>>)
    %dma_start3A_195 = arith.constant 7 : i32
    %dma_start3A_196 = arith.constant 896 : i32
    %dma_start3A_197 = tpu.memref_slice %arg9[%dma_start3A_196] : memref<2560xf32, #tpu.memory_space<vmem>> -> memref<128xf32, #tpu.memory_space<vmem>>
    %dma_start3A_198 = arith.constant 0 : i32
    %dma_start3A_199 = tpu.memref_slice %arg8[%dma_start3A_195, %dma_start3A_198] : memref<20x128xi32, #tpu.memory_space<vmem>> -> memref<1x128xi32, #tpu.memory_space<vmem>>
    %dma_start3A_200 = tpu.memref_squeeze %dma_start3A_199 : memref<1x128xi32, #tpu.memory_space<vmem>> -> memref<128xi32, #tpu.memory_space<vmem>>
    %dma_start3A_201 = arith.constant 0 : i32
    %dma_start3A_202 = tpu.memref_slice %arg4[%dma_start3A_201] : memref<1000000xf32, #tpu.memory_space<hbm>> -> memref<1000000xf32, #tpu.memory_space<hbm>>
    tpu.enqueue_indirect_dma source(%dma_start3A_202 : memref<1000000xf32, #tpu.memory_space<hbm>>) target(%dma_start3A_197 : memref<128xf32, #tpu.memory_space<vmem>>) offsets(%dma_start3A_200 : memref<128xi32, #tpu.memory_space<vmem>>) semaphore(%arg13 : memref<!tpu.dma_semaphore, #tpu.memory_space<semaphore_mem>>)
    %dma_start3A_203 = arith.constant 8 : i32
    %dma_start3A_204 = arith.constant 1024 : i32
    %dma_start3A_205 = tpu.memref_slice %arg9[%dma_start3A_204] : memref<2560xf32, #tpu.memory_space<vmem>> -> memref<128xf32, #tpu.memory_space<vmem>>
    %dma_start3A_206 = arith.constant 0 : i32
    %dma_start3A_207 = tpu.memref_slice %arg8[%dma_start3A_203, %dma_start3A_206] : memref<20x128xi32, #tpu.memory_space<vmem>> -> memref<1x128xi32, #tpu.memory_space<vmem>>
    %dma_start3A_208 = tpu.memref_squeeze %dma_start3A_207 : memref<1x128xi32, #tpu.memory_space<vmem>> -> memref<128xi32, #tpu.memory_space<vmem>>
    %dma_start3A_209 = arith.constant 0 : i32
    %dma_start3A_210 = tpu.memref_slice %arg4[%dma_start3A_209] : memref<1000000xf32, #tpu.memory_space<hbm>> -> memref<1000000xf32, #tpu.memory_space<hbm>>
    tpu.enqueue_indirect_dma source(%dma_start3A_210 : memref<1000000xf32, #tpu.memory_space<hbm>>) target(%dma_start3A_205 : memref<128xf32, #tpu.memory_space<vmem>>) offsets(%dma_start3A_208 : memref<128xi32, #tpu.memory_space<vmem>>) semaphore(%arg13 : memref<!tpu.dma_semaphore, #tpu.memory_space<semaphore_mem>>)
    %dma_start3A_211 = arith.constant 9 : i32
    %dma_start3A_212 = arith.constant 1152 : i32
    %dma_start3A_213 = tpu.memref_slice %arg9[%dma_start3A_212] : memref<2560xf32, #tpu.memory_space<vmem>> -> memref<128xf32, #tpu.memory_space<vmem>>
    %dma_start3A_214 = arith.constant 0 : i32
    %dma_start3A_215 = tpu.memref_slice %arg8[%dma_start3A_211, %dma_start3A_214] : memref<20x128xi32, #tpu.memory_space<vmem>> -> memref<1x128xi32, #tpu.memory_space<vmem>>
    %dma_start3A_216 = tpu.memref_squeeze %dma_start3A_215 : memref<1x128xi32, #tpu.memory_space<vmem>> -> memref<128xi32, #tpu.memory_space<vmem>>
    %dma_start3A_217 = arith.constant 0 : i32
    %dma_start3A_218 = tpu.memref_slice %arg4[%dma_start3A_217] : memref<1000000xf32, #tpu.memory_space<hbm>> -> memref<1000000xf32, #tpu.memory_space<hbm>>
    tpu.enqueue_indirect_dma source(%dma_start3A_218 : memref<1000000xf32, #tpu.memory_space<hbm>>) target(%dma_start3A_213 : memref<128xf32, #tpu.memory_space<vmem>>) offsets(%dma_start3A_216 : memref<128xi32, #tpu.memory_space<vmem>>) semaphore(%arg13 : memref<!tpu.dma_semaphore, #tpu.memory_space<semaphore_mem>>)
    %dma_start3A_219 = arith.constant 10 : i32
    %dma_start3A_220 = arith.constant 1280 : i32
    %dma_start3A_221 = tpu.memref_slice %arg9[%dma_start3A_220] : memref<2560xf32, #tpu.memory_space<vmem>> -> memref<128xf32, #tpu.memory_space<vmem>>
    %dma_start3A_222 = arith.constant 0 : i32
    %dma_start3A_223 = tpu.memref_slice %arg8[%dma_start3A_219, %dma_start3A_222] : memref<20x128xi32, #tpu.memory_space<vmem>> -> memref<1x128xi32, #tpu.memory_space<vmem>>
    %dma_start3A_224 = tpu.memref_squeeze %dma_start3A_223 : memref<1x128xi32, #tpu.memory_space<vmem>> -> memref<128xi32, #tpu.memory_space<vmem>>
    %dma_start3A_225 = arith.constant 0 : i32
    %dma_start3A_226 = tpu.memref_slice %arg4[%dma_start3A_225] : memref<1000000xf32, #tpu.memory_space<hbm>> -> memref<1000000xf32, #tpu.memory_space<hbm>>
    tpu.enqueue_indirect_dma source(%dma_start3A_226 : memref<1000000xf32, #tpu.memory_space<hbm>>) target(%dma_start3A_221 : memref<128xf32, #tpu.memory_space<vmem>>) offsets(%dma_start3A_224 : memref<128xi32, #tpu.memory_space<vmem>>) semaphore(%arg13 : memref<!tpu.dma_semaphore, #tpu.memory_space<semaphore_mem>>)
    %dma_start3A_227 = arith.constant 11 : i32
    %dma_start3A_228 = arith.constant 1408 : i32
    %dma_start3A_229 = tpu.memref_slice %arg9[%dma_start3A_228] : memref<2560xf32, #tpu.memory_space<vmem>> -> memref<128xf32, #tpu.memory_space<vmem>>
    %dma_start3A_230 = arith.constant 0 : i32
    %dma_start3A_231 = tpu.memref_slice %arg8[%dma_start3A_227, %dma_start3A_230] : memref<20x128xi32, #tpu.memory_space<vmem>> -> memref<1x128xi32, #tpu.memory_space<vmem>>
    %dma_start3A_232 = tpu.memref_squeeze %dma_start3A_231 : memref<1x128xi32, #tpu.memory_space<vmem>> -> memref<128xi32, #tpu.memory_space<vmem>>
    %dma_start3A_233 = arith.constant 0 : i32
    %dma_start3A_234 = tpu.memref_slice %arg4[%dma_start3A_233] : memref<1000000xf32, #tpu.memory_space<hbm>> -> memref<1000000xf32, #tpu.memory_space<hbm>>
    tpu.enqueue_indirect_dma source(%dma_start3A_234 : memref<1000000xf32, #tpu.memory_space<hbm>>) target(%dma_start3A_229 : memref<128xf32, #tpu.memory_space<vmem>>) offsets(%dma_start3A_232 : memref<128xi32, #tpu.memory_space<vmem>>) semaphore(%arg13 : memref<!tpu.dma_semaphore, #tpu.memory_space<semaphore_mem>>)
    %dma_start3A_235 = arith.constant 12 : i32
    %dma_start3A_236 = arith.constant 1536 : i32
    %dma_start3A_237 = tpu.memref_slice %arg9[%dma_start3A_236] : memref<2560xf32, #tpu.memory_space<vmem>> -> memref<128xf32, #tpu.memory_space<vmem>>
    %dma_start3A_238 = arith.constant 0 : i32
    %dma_start3A_239 = tpu.memref_slice %arg8[%dma_start3A_235, %dma_start3A_238] : memref<20x128xi32, #tpu.memory_space<vmem>> -> memref<1x128xi32, #tpu.memory_space<vmem>>
    %dma_start3A_240 = tpu.memref_squeeze %dma_start3A_239 : memref<1x128xi32, #tpu.memory_space<vmem>> -> memref<128xi32, #tpu.memory_space<vmem>>
    %dma_start3A_241 = arith.constant 0 : i32
    %dma_start3A_242 = tpu.memref_slice %arg4[%dma_start3A_241] : memref<1000000xf32, #tpu.memory_space<hbm>> -> memref<1000000xf32, #tpu.memory_space<hbm>>
    tpu.enqueue_indirect_dma source(%dma_start3A_242 : memref<1000000xf32, #tpu.memory_space<hbm>>) target(%dma_start3A_237 : memref<128xf32, #tpu.memory_space<vmem>>) offsets(%dma_start3A_240 : memref<128xi32, #tpu.memory_space<vmem>>) semaphore(%arg13 : memref<!tpu.dma_semaphore, #tpu.memory_space<semaphore_mem>>)
    %dma_start3A_243 = arith.constant 13 : i32
    %dma_start3A_244 = arith.constant 1664 : i32
    %dma_start3A_245 = tpu.memref_slice %arg9[%dma_start3A_244] : memref<2560xf32, #tpu.memory_space<vmem>> -> memref<128xf32, #tpu.memory_space<vmem>>
    %dma_start3A_246 = arith.constant 0 : i32
    %dma_start3A_247 = tpu.memref_slice %arg8[%dma_start3A_243, %dma_start3A_246] : memref<20x128xi32, #tpu.memory_space<vmem>> -> memref<1x128xi32, #tpu.memory_space<vmem>>
    %dma_start3A_248 = tpu.memref_squeeze %dma_start3A_247 : memref<1x128xi32, #tpu.memory_space<vmem>> -> memref<128xi32, #tpu.memory_space<vmem>>
    %dma_start3A_249 = arith.constant 0 : i32
    %dma_start3A_250 = tpu.memref_slice %arg4[%dma_start3A_249] : memref<1000000xf32, #tpu.memory_space<hbm>> -> memref<1000000xf32, #tpu.memory_space<hbm>>
    tpu.enqueue_indirect_dma source(%dma_start3A_250 : memref<1000000xf32, #tpu.memory_space<hbm>>) target(%dma_start3A_245 : memref<128xf32, #tpu.memory_space<vmem>>) offsets(%dma_start3A_248 : memref<128xi32, #tpu.memory_space<vmem>>) semaphore(%arg13 : memref<!tpu.dma_semaphore, #tpu.memory_space<semaphore_mem>>)
    %dma_start3A_251 = arith.constant 14 : i32
    %dma_start3A_252 = arith.constant 1792 : i32
    %dma_start3A_253 = tpu.memref_slice %arg9[%dma_start3A_252] : memref<2560xf32, #tpu.memory_space<vmem>> -> memref<128xf32, #tpu.memory_space<vmem>>
    %dma_start3A_254 = arith.constant 0 : i32
    %dma_start3A_255 = tpu.memref_slice %arg8[%dma_start3A_251, %dma_start3A_254] : memref<20x128xi32, #tpu.memory_space<vmem>> -> memref<1x128xi32, #tpu.memory_space<vmem>>
    %dma_start3A_256 = tpu.memref_squeeze %dma_start3A_255 : memref<1x128xi32, #tpu.memory_space<vmem>> -> memref<128xi32, #tpu.memory_space<vmem>>
    %dma_start3A_257 = arith.constant 0 : i32
    %dma_start3A_258 = tpu.memref_slice %arg4[%dma_start3A_257] : memref<1000000xf32, #tpu.memory_space<hbm>> -> memref<1000000xf32, #tpu.memory_space<hbm>>
    tpu.enqueue_indirect_dma source(%dma_start3A_258 : memref<1000000xf32, #tpu.memory_space<hbm>>) target(%dma_start3A_253 : memref<128xf32, #tpu.memory_space<vmem>>) offsets(%dma_start3A_256 : memref<128xi32, #tpu.memory_space<vmem>>) semaphore(%arg13 : memref<!tpu.dma_semaphore, #tpu.memory_space<semaphore_mem>>)
    %dma_start3A_259 = arith.constant 15 : i32
    %dma_start3A_260 = arith.constant 1920 : i32
    %dma_start3A_261 = tpu.memref_slice %arg9[%dma_start3A_260] : memref<2560xf32, #tpu.memory_space<vmem>> -> memref<128xf32, #tpu.memory_space<vmem>>
    %dma_start3A_262 = arith.constant 0 : i32
    %dma_start3A_263 = tpu.memref_slice %arg8[%dma_start3A_259, %dma_start3A_262] : memref<20x128xi32, #tpu.memory_space<vmem>> -> memref<1x128xi32, #tpu.memory_space<vmem>>
    %dma_start3A_264 = tpu.memref_squeeze %dma_start3A_263 : memref<1x128xi32, #tpu.memory_space<vmem>> -> memref<128xi32, #tpu.memory_space<vmem>>
    %dma_start3A_265 = arith.constant 0 : i32
    %dma_start3A_266 = tpu.memref_slice %arg4[%dma_start3A_265] : memref<1000000xf32, #tpu.memory_space<hbm>> -> memref<1000000xf32, #tpu.memory_space<hbm>>
    tpu.enqueue_indirect_dma source(%dma_start3A_266 : memref<1000000xf32, #tpu.memory_space<hbm>>) target(%dma_start3A_261 : memref<128xf32, #tpu.memory_space<vmem>>) offsets(%dma_start3A_264 : memref<128xi32, #tpu.memory_space<vmem>>) semaphore(%arg13 : memref<!tpu.dma_semaphore, #tpu.memory_space<semaphore_mem>>)
    %dma_start3A_267 = arith.constant 16 : i32
    %dma_start3A_268 = arith.constant 2048 : i32
    %dma_start3A_269 = tpu.memref_slice %arg9[%dma_start3A_268] : memref<2560xf32, #tpu.memory_space<vmem>> -> memref<128xf32, #tpu.memory_space<vmem>>
    %dma_start3A_270 = arith.constant 0 : i32
    %dma_start3A_271 = tpu.memref_slice %arg8[%dma_start3A_267, %dma_start3A_270] : memref<20x128xi32, #tpu.memory_space<vmem>> -> memref<1x128xi32, #tpu.memory_space<vmem>>
    %dma_start3A_272 = tpu.memref_squeeze %dma_start3A_271 : memref<1x128xi32, #tpu.memory_space<vmem>> -> memref<128xi32, #tpu.memory_space<vmem>>
    %dma_start3A_273 = arith.constant 0 : i32
    %dma_start3A_274 = tpu.memref_slice %arg4[%dma_start3A_273] : memref<1000000xf32, #tpu.memory_space<hbm>> -> memref<1000000xf32, #tpu.memory_space<hbm>>
    tpu.enqueue_indirect_dma source(%dma_start3A_274 : memref<1000000xf32, #tpu.memory_space<hbm>>) target(%dma_start3A_269 : memref<128xf32, #tpu.memory_space<vmem>>) offsets(%dma_start3A_272 : memref<128xi32, #tpu.memory_space<vmem>>) semaphore(%arg13 : memref<!tpu.dma_semaphore, #tpu.memory_space<semaphore_mem>>)
    %dma_start3A_275 = arith.constant 17 : i32
    %dma_start3A_276 = arith.constant 2176 : i32
    %dma_start3A_277 = tpu.memref_slice %arg9[%dma_start3A_276] : memref<2560xf32, #tpu.memory_space<vmem>> -> memref<128xf32, #tpu.memory_space<vmem>>
    %dma_start3A_278 = arith.constant 0 : i32
    %dma_start3A_279 = tpu.memref_slice %arg8[%dma_start3A_275, %dma_start3A_278] : memref<20x128xi32, #tpu.memory_space<vmem>> -> memref<1x128xi32, #tpu.memory_space<vmem>>
    %dma_start3A_280 = tpu.memref_squeeze %dma_start3A_279 : memref<1x128xi32, #tpu.memory_space<vmem>> -> memref<128xi32, #tpu.memory_space<vmem>>
    %dma_start3A_281 = arith.constant 0 : i32
    %dma_start3A_282 = tpu.memref_slice %arg4[%dma_start3A_281] : memref<1000000xf32, #tpu.memory_space<hbm>> -> memref<1000000xf32, #tpu.memory_space<hbm>>
    tpu.enqueue_indirect_dma source(%dma_start3A_282 : memref<1000000xf32, #tpu.memory_space<hbm>>) target(%dma_start3A_277 : memref<128xf32, #tpu.memory_space<vmem>>) offsets(%dma_start3A_280 : memref<128xi32, #tpu.memory_space<vmem>>) semaphore(%arg13 : memref<!tpu.dma_semaphore, #tpu.memory_space<semaphore_mem>>)
    %dma_start3A_283 = arith.constant 18 : i32
    %dma_start3A_284 = arith.constant 2304 : i32
    %dma_start3A_285 = tpu.memref_slice %arg9[%dma_start3A_284] : memref<2560xf32, #tpu.memory_space<vmem>> -> memref<128xf32, #tpu.memory_space<vmem>>
    %dma_start3A_286 = arith.constant 0 : i32
    %dma_start3A_287 = tpu.memref_slice %arg8[%dma_start3A_283, %dma_start3A_286] : memref<20x128xi32, #tpu.memory_space<vmem>> -> memref<1x128xi32, #tpu.memory_space<vmem>>
    %dma_start3A_288 = tpu.memref_squeeze %dma_start3A_287 : memref<1x128xi32, #tpu.memory_space<vmem>> -> memref<128xi32, #tpu.memory_space<vmem>>
    %dma_start3A_289 = arith.constant 0 : i32
    %dma_start3A_290 = tpu.memref_slice %arg4[%dma_start3A_289] : memref<1000000xf32, #tpu.memory_space<hbm>> -> memref<1000000xf32, #tpu.memory_space<hbm>>
    tpu.enqueue_indirect_dma source(%dma_start3A_290 : memref<1000000xf32, #tpu.memory_space<hbm>>) target(%dma_start3A_285 : memref<128xf32, #tpu.memory_space<vmem>>) offsets(%dma_start3A_288 : memref<128xi32, #tpu.memory_space<vmem>>) semaphore(%arg13 : memref<!tpu.dma_semaphore, #tpu.memory_space<semaphore_mem>>)
    %dma_start3A_291 = arith.constant 19 : i32
    %dma_start3A_292 = arith.constant 2432 : i32
    %dma_start3A_293 = tpu.memref_slice %arg9[%dma_start3A_292] : memref<2560xf32, #tpu.memory_space<vmem>> -> memref<128xf32, #tpu.memory_space<vmem>>
    %dma_start3A_294 = arith.constant 0 : i32
    %dma_start3A_295 = tpu.memref_slice %arg8[%dma_start3A_291, %dma_start3A_294] : memref<20x128xi32, #tpu.memory_space<vmem>> -> memref<1x128xi32, #tpu.memory_space<vmem>>
    %dma_start3A_296 = tpu.memref_squeeze %dma_start3A_295 : memref<1x128xi32, #tpu.memory_space<vmem>> -> memref<128xi32, #tpu.memory_space<vmem>>
    %dma_start3A_297 = arith.constant 0 : i32
    %dma_start3A_298 = tpu.memref_slice %arg4[%dma_start3A_297] : memref<1000000xf32, #tpu.memory_space<hbm>> -> memref<1000000xf32, #tpu.memory_space<hbm>>
    tpu.enqueue_indirect_dma source(%dma_start3A_298 : memref<1000000xf32, #tpu.memory_space<hbm>>) target(%dma_start3A_293 : memref<128xf32, #tpu.memory_space<vmem>>) offsets(%dma_start3A_296 : memref<128xi32, #tpu.memory_space<vmem>>) semaphore(%arg13 : memref<!tpu.dma_semaphore, #tpu.memory_space<semaphore_mem>>)
    %dma_wait3A_299 = arith.constant 0 : i32
    %dma_wait3A_300 = arith.constant 0 : i32
    %dma_wait3A_301 = tpu.memref_slice %arg9[%dma_wait3A_300] : memref<2560xf32, #tpu.memory_space<vmem>> -> memref<128xf32, #tpu.memory_space<vmem>>
    %dma_wait3A_302 = arith.constant 0 : i32
    %dma_wait3A_303 = tpu.memref_slice %arg8[%dma_wait3A_299, %dma_wait3A_302] : memref<20x128xi32, #tpu.memory_space<vmem>> -> memref<1x128xi32, #tpu.memory_space<vmem>>
    %dma_wait3A_304 = tpu.memref_squeeze %dma_wait3A_303 : memref<1x128xi32, #tpu.memory_space<vmem>> -> memref<128xi32, #tpu.memory_space<vmem>>
    %dma_wait3A_305 = arith.constant 0 : i32
    %dma_wait3A_306 = tpu.memref_slice %arg4[%dma_wait3A_305] : memref<1000000xf32, #tpu.memory_space<hbm>> -> memref<1000000xf32, #tpu.memory_space<hbm>>
    tpu.wait_indirect_dma semaphore(%arg13 : memref<!tpu.dma_semaphore, #tpu.memory_space<semaphore_mem>>) src(%dma_wait3A_306 : memref<1000000xf32, #tpu.memory_space<hbm>>) dst(%dma_wait3A_301 : memref<128xf32, #tpu.memory_space<vmem>>)
    %dma_wait3A_307 = arith.constant 1 : i32
    %dma_wait3A_308 = arith.constant 128 : i32
    %dma_wait3A_309 = tpu.memref_slice %arg9[%dma_wait3A_308] : memref<2560xf32, #tpu.memory_space<vmem>> -> memref<128xf32, #tpu.memory_space<vmem>>
    %dma_wait3A_310 = arith.constant 0 : i32
    %dma_wait3A_311 = tpu.memref_slice %arg8[%dma_wait3A_307, %dma_wait3A_310] : memref<20x128xi32, #tpu.memory_space<vmem>> -> memref<1x128xi32, #tpu.memory_space<vmem>>
    %dma_wait3A_312 = tpu.memref_squeeze %dma_wait3A_311 : memref<1x128xi32, #tpu.memory_space<vmem>> -> memref<128xi32, #tpu.memory_space<vmem>>
    %dma_wait3A_313 = arith.constant 0 : i32
    %dma_wait3A_314 = tpu.memref_slice %arg4[%dma_wait3A_313] : memref<1000000xf32, #tpu.memory_space<hbm>> -> memref<1000000xf32, #tpu.memory_space<hbm>>
    tpu.wait_indirect_dma semaphore(%arg13 : memref<!tpu.dma_semaphore, #tpu.memory_space<semaphore_mem>>) src(%dma_wait3A_314 : memref<1000000xf32, #tpu.memory_space<hbm>>) dst(%dma_wait3A_309 : memref<128xf32, #tpu.memory_space<vmem>>)
    %dma_wait3A_315 = arith.constant 2 : i32
    %dma_wait3A_316 = arith.constant 256 : i32
    %dma_wait3A_317 = tpu.memref_slice %arg9[%dma_wait3A_316] : memref<2560xf32, #tpu.memory_space<vmem>> -> memref<128xf32, #tpu.memory_space<vmem>>
    %dma_wait3A_318 = arith.constant 0 : i32
    %dma_wait3A_319 = tpu.memref_slice %arg8[%dma_wait3A_315, %dma_wait3A_318] : memref<20x128xi32, #tpu.memory_space<vmem>> -> memref<1x128xi32, #tpu.memory_space<vmem>>
    %dma_wait3A_320 = tpu.memref_squeeze %dma_wait3A_319 : memref<1x128xi32, #tpu.memory_space<vmem>> -> memref<128xi32, #tpu.memory_space<vmem>>
    %dma_wait3A_321 = arith.constant 0 : i32
    %dma_wait3A_322 = tpu.memref_slice %arg4[%dma_wait3A_321] : memref<1000000xf32, #tpu.memory_space<hbm>> -> memref<1000000xf32, #tpu.memory_space<hbm>>
    tpu.wait_indirect_dma semaphore(%arg13 : memref<!tpu.dma_semaphore, #tpu.memory_space<semaphore_mem>>) src(%dma_wait3A_322 : memref<1000000xf32, #tpu.memory_space<hbm>>) dst(%dma_wait3A_317 : memref<128xf32, #tpu.memory_space<vmem>>)
    %dma_wait3A_323 = arith.constant 3 : i32
    %dma_wait3A_324 = arith.constant 384 : i32
    %dma_wait3A_325 = tpu.memref_slice %arg9[%dma_wait3A_324] : memref<2560xf32, #tpu.memory_space<vmem>> -> memref<128xf32, #tpu.memory_space<vmem>>
    %dma_wait3A_326 = arith.constant 0 : i32
    %dma_wait3A_327 = tpu.memref_slice %arg8[%dma_wait3A_323, %dma_wait3A_326] : memref<20x128xi32, #tpu.memory_space<vmem>> -> memref<1x128xi32, #tpu.memory_space<vmem>>
    %dma_wait3A_328 = tpu.memref_squeeze %dma_wait3A_327 : memref<1x128xi32, #tpu.memory_space<vmem>> -> memref<128xi32, #tpu.memory_space<vmem>>
    %dma_wait3A_329 = arith.constant 0 : i32
    %dma_wait3A_330 = tpu.memref_slice %arg4[%dma_wait3A_329] : memref<1000000xf32, #tpu.memory_space<hbm>> -> memref<1000000xf32, #tpu.memory_space<hbm>>
    tpu.wait_indirect_dma semaphore(%arg13 : memref<!tpu.dma_semaphore, #tpu.memory_space<semaphore_mem>>) src(%dma_wait3A_330 : memref<1000000xf32, #tpu.memory_space<hbm>>) dst(%dma_wait3A_325 : memref<128xf32, #tpu.memory_space<vmem>>)
    %dma_wait3A_331 = arith.constant 4 : i32
    %dma_wait3A_332 = arith.constant 512 : i32
    %dma_wait3A_333 = tpu.memref_slice %arg9[%dma_wait3A_332] : memref<2560xf32, #tpu.memory_space<vmem>> -> memref<128xf32, #tpu.memory_space<vmem>>
    %dma_wait3A_334 = arith.constant 0 : i32
    %dma_wait3A_335 = tpu.memref_slice %arg8[%dma_wait3A_331, %dma_wait3A_334] : memref<20x128xi32, #tpu.memory_space<vmem>> -> memref<1x128xi32, #tpu.memory_space<vmem>>
    %dma_wait3A_336 = tpu.memref_squeeze %dma_wait3A_335 : memref<1x128xi32, #tpu.memory_space<vmem>> -> memref<128xi32, #tpu.memory_space<vmem>>
    %dma_wait3A_337 = arith.constant 0 : i32
    %dma_wait3A_338 = tpu.memref_slice %arg4[%dma_wait3A_337] : memref<1000000xf32, #tpu.memory_space<hbm>> -> memref<1000000xf32, #tpu.memory_space<hbm>>
    tpu.wait_indirect_dma semaphore(%arg13 : memref<!tpu.dma_semaphore, #tpu.memory_space<semaphore_mem>>) src(%dma_wait3A_338 : memref<1000000xf32, #tpu.memory_space<hbm>>) dst(%dma_wait3A_333 : memref<128xf32, #tpu.memory_space<vmem>>)
    %dma_wait3A_339 = arith.constant 5 : i32
    %dma_wait3A_340 = arith.constant 640 : i32
    %dma_wait3A_341 = tpu.memref_slice %arg9[%dma_wait3A_340] : memref<2560xf32, #tpu.memory_space<vmem>> -> memref<128xf32, #tpu.memory_space<vmem>>
    %dma_wait3A_342 = arith.constant 0 : i32
    %dma_wait3A_343 = tpu.memref_slice %arg8[%dma_wait3A_339, %dma_wait3A_342] : memref<20x128xi32, #tpu.memory_space<vmem>> -> memref<1x128xi32, #tpu.memory_space<vmem>>
    %dma_wait3A_344 = tpu.memref_squeeze %dma_wait3A_343 : memref<1x128xi32, #tpu.memory_space<vmem>> -> memref<128xi32, #tpu.memory_space<vmem>>
    %dma_wait3A_345 = arith.constant 0 : i32
    %dma_wait3A_346 = tpu.memref_slice %arg4[%dma_wait3A_345] : memref<1000000xf32, #tpu.memory_space<hbm>> -> memref<1000000xf32, #tpu.memory_space<hbm>>
    tpu.wait_indirect_dma semaphore(%arg13 : memref<!tpu.dma_semaphore, #tpu.memory_space<semaphore_mem>>) src(%dma_wait3A_346 : memref<1000000xf32, #tpu.memory_space<hbm>>) dst(%dma_wait3A_341 : memref<128xf32, #tpu.memory_space<vmem>>)
    %dma_wait3A_347 = arith.constant 6 : i32
    %dma_wait3A_348 = arith.constant 768 : i32
    %dma_wait3A_349 = tpu.memref_slice %arg9[%dma_wait3A_348] : memref<2560xf32, #tpu.memory_space<vmem>> -> memref<128xf32, #tpu.memory_space<vmem>>
    %dma_wait3A_350 = arith.constant 0 : i32
    %dma_wait3A_351 = tpu.memref_slice %arg8[%dma_wait3A_347, %dma_wait3A_350] : memref<20x128xi32, #tpu.memory_space<vmem>> -> memref<1x128xi32, #tpu.memory_space<vmem>>
    %dma_wait3A_352 = tpu.memref_squeeze %dma_wait3A_351 : memref<1x128xi32, #tpu.memory_space<vmem>> -> memref<128xi32, #tpu.memory_space<vmem>>
    %dma_wait3A_353 = arith.constant 0 : i32
    %dma_wait3A_354 = tpu.memref_slice %arg4[%dma_wait3A_353] : memref<1000000xf32, #tpu.memory_space<hbm>> -> memref<1000000xf32, #tpu.memory_space<hbm>>
    tpu.wait_indirect_dma semaphore(%arg13 : memref<!tpu.dma_semaphore, #tpu.memory_space<semaphore_mem>>) src(%dma_wait3A_354 : memref<1000000xf32, #tpu.memory_space<hbm>>) dst(%dma_wait3A_349 : memref<128xf32, #tpu.memory_space<vmem>>)
    %dma_wait3A_355 = arith.constant 7 : i32
    %dma_wait3A_356 = arith.constant 896 : i32
    %dma_wait3A_357 = tpu.memref_slice %arg9[%dma_wait3A_356] : memref<2560xf32, #tpu.memory_space<vmem>> -> memref<128xf32, #tpu.memory_space<vmem>>
    %dma_wait3A_358 = arith.constant 0 : i32
    %dma_wait3A_359 = tpu.memref_slice %arg8[%dma_wait3A_355, %dma_wait3A_358] : memref<20x128xi32, #tpu.memory_space<vmem>> -> memref<1x128xi32, #tpu.memory_space<vmem>>
    %dma_wait3A_360 = tpu.memref_squeeze %dma_wait3A_359 : memref<1x128xi32, #tpu.memory_space<vmem>> -> memref<128xi32, #tpu.memory_space<vmem>>
    %dma_wait3A_361 = arith.constant 0 : i32
    %dma_wait3A_362 = tpu.memref_slice %arg4[%dma_wait3A_361] : memref<1000000xf32, #tpu.memory_space<hbm>> -> memref<1000000xf32, #tpu.memory_space<hbm>>
    tpu.wait_indirect_dma semaphore(%arg13 : memref<!tpu.dma_semaphore, #tpu.memory_space<semaphore_mem>>) src(%dma_wait3A_362 : memref<1000000xf32, #tpu.memory_space<hbm>>) dst(%dma_wait3A_357 : memref<128xf32, #tpu.memory_space<vmem>>)
    %dma_wait3A_363 = arith.constant 8 : i32
    %dma_wait3A_364 = arith.constant 1024 : i32
    %dma_wait3A_365 = tpu.memref_slice %arg9[%dma_wait3A_364] : memref<2560xf32, #tpu.memory_space<vmem>> -> memref<128xf32, #tpu.memory_space<vmem>>
    %dma_wait3A_366 = arith.constant 0 : i32
    %dma_wait3A_367 = tpu.memref_slice %arg8[%dma_wait3A_363, %dma_wait3A_366] : memref<20x128xi32, #tpu.memory_space<vmem>> -> memref<1x128xi32, #tpu.memory_space<vmem>>
    %dma_wait3A_368 = tpu.memref_squeeze %dma_wait3A_367 : memref<1x128xi32, #tpu.memory_space<vmem>> -> memref<128xi32, #tpu.memory_space<vmem>>
    %dma_wait3A_369 = arith.constant 0 : i32
    %dma_wait3A_370 = tpu.memref_slice %arg4[%dma_wait3A_369] : memref<1000000xf32, #tpu.memory_space<hbm>> -> memref<1000000xf32, #tpu.memory_space<hbm>>
    tpu.wait_indirect_dma semaphore(%arg13 : memref<!tpu.dma_semaphore, #tpu.memory_space<semaphore_mem>>) src(%dma_wait3A_370 : memref<1000000xf32, #tpu.memory_space<hbm>>) dst(%dma_wait3A_365 : memref<128xf32, #tpu.memory_space<vmem>>)
    %dma_wait3A_371 = arith.constant 9 : i32
    %dma_wait3A_372 = arith.constant 1152 : i32
    %dma_wait3A_373 = tpu.memref_slice %arg9[%dma_wait3A_372] : memref<2560xf32, #tpu.memory_space<vmem>> -> memref<128xf32, #tpu.memory_space<vmem>>
    %dma_wait3A_374 = arith.constant 0 : i32
    %dma_wait3A_375 = tpu.memref_slice %arg8[%dma_wait3A_371, %dma_wait3A_374] : memref<20x128xi32, #tpu.memory_space<vmem>> -> memref<1x128xi32, #tpu.memory_space<vmem>>
    %dma_wait3A_376 = tpu.memref_squeeze %dma_wait3A_375 : memref<1x128xi32, #tpu.memory_space<vmem>> -> memref<128xi32, #tpu.memory_space<vmem>>
    %dma_wait3A_377 = arith.constant 0 : i32
    %dma_wait3A_378 = tpu.memref_slice %arg4[%dma_wait3A_377] : memref<1000000xf32, #tpu.memory_space<hbm>> -> memref<1000000xf32, #tpu.memory_space<hbm>>
    tpu.wait_indirect_dma semaphore(%arg13 : memref<!tpu.dma_semaphore, #tpu.memory_space<semaphore_mem>>) src(%dma_wait3A_378 : memref<1000000xf32, #tpu.memory_space<hbm>>) dst(%dma_wait3A_373 : memref<128xf32, #tpu.memory_space<vmem>>)
    %dma_wait3A_379 = arith.constant 10 : i32
    %dma_wait3A_380 = arith.constant 1280 : i32
    %dma_wait3A_381 = tpu.memref_slice %arg9[%dma_wait3A_380] : memref<2560xf32, #tpu.memory_space<vmem>> -> memref<128xf32, #tpu.memory_space<vmem>>
    %dma_wait3A_382 = arith.constant 0 : i32
    %dma_wait3A_383 = tpu.memref_slice %arg8[%dma_wait3A_379, %dma_wait3A_382] : memref<20x128xi32, #tpu.memory_space<vmem>> -> memref<1x128xi32, #tpu.memory_space<vmem>>
    %dma_wait3A_384 = tpu.memref_squeeze %dma_wait3A_383 : memref<1x128xi32, #tpu.memory_space<vmem>> -> memref<128xi32, #tpu.memory_space<vmem>>
    %dma_wait3A_385 = arith.constant 0 : i32
    %dma_wait3A_386 = tpu.memref_slice %arg4[%dma_wait3A_385] : memref<1000000xf32, #tpu.memory_space<hbm>> -> memref<1000000xf32, #tpu.memory_space<hbm>>
    tpu.wait_indirect_dma semaphore(%arg13 : memref<!tpu.dma_semaphore, #tpu.memory_space<semaphore_mem>>) src(%dma_wait3A_386 : memref<1000000xf32, #tpu.memory_space<hbm>>) dst(%dma_wait3A_381 : memref<128xf32, #tpu.memory_space<vmem>>)
    %dma_wait3A_387 = arith.constant 11 : i32
    %dma_wait3A_388 = arith.constant 1408 : i32
    %dma_wait3A_389 = tpu.memref_slice %arg9[%dma_wait3A_388] : memref<2560xf32, #tpu.memory_space<vmem>> -> memref<128xf32, #tpu.memory_space<vmem>>
    %dma_wait3A_390 = arith.constant 0 : i32
    %dma_wait3A_391 = tpu.memref_slice %arg8[%dma_wait3A_387, %dma_wait3A_390] : memref<20x128xi32, #tpu.memory_space<vmem>> -> memref<1x128xi32, #tpu.memory_space<vmem>>
    %dma_wait3A_392 = tpu.memref_squeeze %dma_wait3A_391 : memref<1x128xi32, #tpu.memory_space<vmem>> -> memref<128xi32, #tpu.memory_space<vmem>>
    %dma_wait3A_393 = arith.constant 0 : i32
    %dma_wait3A_394 = tpu.memref_slice %arg4[%dma_wait3A_393] : memref<1000000xf32, #tpu.memory_space<hbm>> -> memref<1000000xf32, #tpu.memory_space<hbm>>
    tpu.wait_indirect_dma semaphore(%arg13 : memref<!tpu.dma_semaphore, #tpu.memory_space<semaphore_mem>>) src(%dma_wait3A_394 : memref<1000000xf32, #tpu.memory_space<hbm>>) dst(%dma_wait3A_389 : memref<128xf32, #tpu.memory_space<vmem>>)
    %dma_wait3A_395 = arith.constant 12 : i32
    %dma_wait3A_396 = arith.constant 1536 : i32
    %dma_wait3A_397 = tpu.memref_slice %arg9[%dma_wait3A_396] : memref<2560xf32, #tpu.memory_space<vmem>> -> memref<128xf32, #tpu.memory_space<vmem>>
    %dma_wait3A_398 = arith.constant 0 : i32
    %dma_wait3A_399 = tpu.memref_slice %arg8[%dma_wait3A_395, %dma_wait3A_398] : memref<20x128xi32, #tpu.memory_space<vmem>> -> memref<1x128xi32, #tpu.memory_space<vmem>>
    %dma_wait3A_400 = tpu.memref_squeeze %dma_wait3A_399 : memref<1x128xi32, #tpu.memory_space<vmem>> -> memref<128xi32, #tpu.memory_space<vmem>>
    %dma_wait3A_401 = arith.constant 0 : i32
    %dma_wait3A_402 = tpu.memref_slice %arg4[%dma_wait3A_401] : memref<1000000xf32, #tpu.memory_space<hbm>> -> memref<1000000xf32, #tpu.memory_space<hbm>>
    tpu.wait_indirect_dma semaphore(%arg13 : memref<!tpu.dma_semaphore, #tpu.memory_space<semaphore_mem>>) src(%dma_wait3A_402 : memref<1000000xf32, #tpu.memory_space<hbm>>) dst(%dma_wait3A_397 : memref<128xf32, #tpu.memory_space<vmem>>)
    %dma_wait3A_403 = arith.constant 13 : i32
    %dma_wait3A_404 = arith.constant 1664 : i32
    %dma_wait3A_405 = tpu.memref_slice %arg9[%dma_wait3A_404] : memref<2560xf32, #tpu.memory_space<vmem>> -> memref<128xf32, #tpu.memory_space<vmem>>
    %dma_wait3A_406 = arith.constant 0 : i32
    %dma_wait3A_407 = tpu.memref_slice %arg8[%dma_wait3A_403, %dma_wait3A_406] : memref<20x128xi32, #tpu.memory_space<vmem>> -> memref<1x128xi32, #tpu.memory_space<vmem>>
    %dma_wait3A_408 = tpu.memref_squeeze %dma_wait3A_407 : memref<1x128xi32, #tpu.memory_space<vmem>> -> memref<128xi32, #tpu.memory_space<vmem>>
    %dma_wait3A_409 = arith.constant 0 : i32
    %dma_wait3A_410 = tpu.memref_slice %arg4[%dma_wait3A_409] : memref<1000000xf32, #tpu.memory_space<hbm>> -> memref<1000000xf32, #tpu.memory_space<hbm>>
    tpu.wait_indirect_dma semaphore(%arg13 : memref<!tpu.dma_semaphore, #tpu.memory_space<semaphore_mem>>) src(%dma_wait3A_410 : memref<1000000xf32, #tpu.memory_space<hbm>>) dst(%dma_wait3A_405 : memref<128xf32, #tpu.memory_space<vmem>>)
    %dma_wait3A_411 = arith.constant 14 : i32
    %dma_wait3A_412 = arith.constant 1792 : i32
    %dma_wait3A_413 = tpu.memref_slice %arg9[%dma_wait3A_412] : memref<2560xf32, #tpu.memory_space<vmem>> -> memref<128xf32, #tpu.memory_space<vmem>>
    %dma_wait3A_414 = arith.constant 0 : i32
    %dma_wait3A_415 = tpu.memref_slice %arg8[%dma_wait3A_411, %dma_wait3A_414] : memref<20x128xi32, #tpu.memory_space<vmem>> -> memref<1x128xi32, #tpu.memory_space<vmem>>
    %dma_wait3A_416 = tpu.memref_squeeze %dma_wait3A_415 : memref<1x128xi32, #tpu.memory_space<vmem>> -> memref<128xi32, #tpu.memory_space<vmem>>
    %dma_wait3A_417 = arith.constant 0 : i32
    %dma_wait3A_418 = tpu.memref_slice %arg4[%dma_wait3A_417] : memref<1000000xf32, #tpu.memory_space<hbm>> -> memref<1000000xf32, #tpu.memory_space<hbm>>
    tpu.wait_indirect_dma semaphore(%arg13 : memref<!tpu.dma_semaphore, #tpu.memory_space<semaphore_mem>>) src(%dma_wait3A_418 : memref<1000000xf32, #tpu.memory_space<hbm>>) dst(%dma_wait3A_413 : memref<128xf32, #tpu.memory_space<vmem>>)
    %dma_wait3A_419 = arith.constant 15 : i32
    %dma_wait3A_420 = arith.constant 1920 : i32
    %dma_wait3A_421 = tpu.memref_slice %arg9[%dma_wait3A_420] : memref<2560xf32, #tpu.memory_space<vmem>> -> memref<128xf32, #tpu.memory_space<vmem>>
    %dma_wait3A_422 = arith.constant 0 : i32
    %dma_wait3A_423 = tpu.memref_slice %arg8[%dma_wait3A_419, %dma_wait3A_422] : memref<20x128xi32, #tpu.memory_space<vmem>> -> memref<1x128xi32, #tpu.memory_space<vmem>>
    %dma_wait3A_424 = tpu.memref_squeeze %dma_wait3A_423 : memref<1x128xi32, #tpu.memory_space<vmem>> -> memref<128xi32, #tpu.memory_space<vmem>>
    %dma_wait3A_425 = arith.constant 0 : i32
    %dma_wait3A_426 = tpu.memref_slice %arg4[%dma_wait3A_425] : memref<1000000xf32, #tpu.memory_space<hbm>> -> memref<1000000xf32, #tpu.memory_space<hbm>>
    tpu.wait_indirect_dma semaphore(%arg13 : memref<!tpu.dma_semaphore, #tpu.memory_space<semaphore_mem>>) src(%dma_wait3A_426 : memref<1000000xf32, #tpu.memory_space<hbm>>) dst(%dma_wait3A_421 : memref<128xf32, #tpu.memory_space<vmem>>)
    %dma_wait3A_427 = arith.constant 16 : i32
    %dma_wait3A_428 = arith.constant 2048 : i32
    %dma_wait3A_429 = tpu.memref_slice %arg9[%dma_wait3A_428] : memref<2560xf32, #tpu.memory_space<vmem>> -> memref<128xf32, #tpu.memory_space<vmem>>
    %dma_wait3A_430 = arith.constant 0 : i32
    %dma_wait3A_431 = tpu.memref_slice %arg8[%dma_wait3A_427, %dma_wait3A_430] : memref<20x128xi32, #tpu.memory_space<vmem>> -> memref<1x128xi32, #tpu.memory_space<vmem>>
    %dma_wait3A_432 = tpu.memref_squeeze %dma_wait3A_431 : memref<1x128xi32, #tpu.memory_space<vmem>> -> memref<128xi32, #tpu.memory_space<vmem>>
    %dma_wait3A_433 = arith.constant 0 : i32
    %dma_wait3A_434 = tpu.memref_slice %arg4[%dma_wait3A_433] : memref<1000000xf32, #tpu.memory_space<hbm>> -> memref<1000000xf32, #tpu.memory_space<hbm>>
    tpu.wait_indirect_dma semaphore(%arg13 : memref<!tpu.dma_semaphore, #tpu.memory_space<semaphore_mem>>) src(%dma_wait3A_434 : memref<1000000xf32, #tpu.memory_space<hbm>>) dst(%dma_wait3A_429 : memref<128xf32, #tpu.memory_space<vmem>>)
    %dma_wait3A_435 = arith.constant 17 : i32
    %dma_wait3A_436 = arith.constant 2176 : i32
    %dma_wait3A_437 = tpu.memref_slice %arg9[%dma_wait3A_436] : memref<2560xf32, #tpu.memory_space<vmem>> -> memref<128xf32, #tpu.memory_space<vmem>>
    %dma_wait3A_438 = arith.constant 0 : i32
    %dma_wait3A_439 = tpu.memref_slice %arg8[%dma_wait3A_435, %dma_wait3A_438] : memref<20x128xi32, #tpu.memory_space<vmem>> -> memref<1x128xi32, #tpu.memory_space<vmem>>
    %dma_wait3A_440 = tpu.memref_squeeze %dma_wait3A_439 : memref<1x128xi32, #tpu.memory_space<vmem>> -> memref<128xi32, #tpu.memory_space<vmem>>
    %dma_wait3A_441 = arith.constant 0 : i32
    %dma_wait3A_442 = tpu.memref_slice %arg4[%dma_wait3A_441] : memref<1000000xf32, #tpu.memory_space<hbm>> -> memref<1000000xf32, #tpu.memory_space<hbm>>
    tpu.wait_indirect_dma semaphore(%arg13 : memref<!tpu.dma_semaphore, #tpu.memory_space<semaphore_mem>>) src(%dma_wait3A_442 : memref<1000000xf32, #tpu.memory_space<hbm>>) dst(%dma_wait3A_437 : memref<128xf32, #tpu.memory_space<vmem>>)
    %dma_wait3A_443 = arith.constant 18 : i32
    %dma_wait3A_444 = arith.constant 2304 : i32
    %dma_wait3A_445 = tpu.memref_slice %arg9[%dma_wait3A_444] : memref<2560xf32, #tpu.memory_space<vmem>> -> memref<128xf32, #tpu.memory_space<vmem>>
    %dma_wait3A_446 = arith.constant 0 : i32
    %dma_wait3A_447 = tpu.memref_slice %arg8[%dma_wait3A_443, %dma_wait3A_446] : memref<20x128xi32, #tpu.memory_space<vmem>> -> memref<1x128xi32, #tpu.memory_space<vmem>>
    %dma_wait3A_448 = tpu.memref_squeeze %dma_wait3A_447 : memref<1x128xi32, #tpu.memory_space<vmem>> -> memref<128xi32, #tpu.memory_space<vmem>>
    %dma_wait3A_449 = arith.constant 0 : i32
    %dma_wait3A_450 = tpu.memref_slice %arg4[%dma_wait3A_449] : memref<1000000xf32, #tpu.memory_space<hbm>> -> memref<1000000xf32, #tpu.memory_space<hbm>>
    tpu.wait_indirect_dma semaphore(%arg13 : memref<!tpu.dma_semaphore, #tpu.memory_space<semaphore_mem>>) src(%dma_wait3A_450 : memref<1000000xf32, #tpu.memory_space<hbm>>) dst(%dma_wait3A_445 : memref<128xf32, #tpu.memory_space<vmem>>)
    %dma_wait3A_451 = arith.constant 19 : i32
    %dma_wait3A_452 = arith.constant 2432 : i32
    %dma_wait3A_453 = tpu.memref_slice %arg9[%dma_wait3A_452] : memref<2560xf32, #tpu.memory_space<vmem>> -> memref<128xf32, #tpu.memory_space<vmem>>
    %dma_wait3A_454 = arith.constant 0 : i32
    %dma_wait3A_455 = tpu.memref_slice %arg8[%dma_wait3A_451, %dma_wait3A_454] : memref<20x128xi32, #tpu.memory_space<vmem>> -> memref<1x128xi32, #tpu.memory_space<vmem>>
    %dma_wait3A_456 = tpu.memref_squeeze %dma_wait3A_455 : memref<1x128xi32, #tpu.memory_space<vmem>> -> memref<128xi32, #tpu.memory_space<vmem>>
    %dma_wait3A_457 = arith.constant 0 : i32
    %dma_wait3A_458 = tpu.memref_slice %arg4[%dma_wait3A_457] : memref<1000000xf32, #tpu.memory_space<hbm>> -> memref<1000000xf32, #tpu.memory_space<hbm>>
    tpu.wait_indirect_dma semaphore(%arg13 : memref<!tpu.dma_semaphore, #tpu.memory_space<semaphore_mem>>) src(%dma_wait3A_458 : memref<1000000xf32, #tpu.memory_space<hbm>>) dst(%dma_wait3A_453 : memref<128xf32, #tpu.memory_space<vmem>>)
    %scan3A = arith.constant 0 : i32
    %scan3A_459 = arith.constant 0 : i32
    %scan3A_460 = arith.constant 32 : i32
    %scan3A_461 = arith.addi %scan3A_459, %scan3A_460 : i32
    %scan3A_462 = arith.constant 1 : i32
    scf.for %scan3A_466 = %scan3A_459 to %scan3A_461 step %scan3A_462  : i32 {
      %mul3A_467 = arith.constant 16 : i32
      %mul3A_468 = arith.muli %scan3A_466, %mul3A_467 : i32
      %get3A = arith.index_cast %mul3A_468 : i32 to index
      %get3A_469 = tpu.vector_load %arg9[%get3A] {strides = array<i32>} : memref<2560xf32, #tpu.memory_space<vmem>>, vector<16xf32>,
      %add3A_470 = arith.constant 512 : i32
      %add3A_471 = arith.addi %add3A_470, %mul3A_468 : i32
      %get3A_472 = arith.index_cast %add3A_471 : i32 to index
      %get3A_473 = tpu.vector_load %arg9[%get3A_472] {strides = array<i32>} : memref<2560xf32, #tpu.memory_space<vmem>>, vector<16xf32>,
      %add3A_474 = arith.constant 1024 : i32
      %add3A_475 = arith.addi %add3A_474, %mul3A_468 : i32
      %get3A_476 = arith.index_cast %add3A_475 : i32 to index
      %get3A_477 = tpu.vector_load %arg9[%get3A_476] {strides = array<i32>} : memref<2560xf32, #tpu.memory_space<vmem>>, vector<16xf32>,
      %add3A_478 = arith.constant 1536 : i32
      %add3A_479 = arith.addi %add3A_478, %mul3A_468 : i32
      %get3A_480 = arith.index_cast %add3A_479 : i32 to index
      %get3A_481 = tpu.vector_load %arg9[%get3A_480] {strides = array<i32>} : memref<2560xf32, #tpu.memory_space<vmem>>, vector<16xf32>,
      %add3A_482 = arith.constant 2048 : i32
      %add3A_483 = arith.addi %add3A_482, %mul3A_468 : i32
      %get3A_484 = arith.index_cast %add3A_483 : i32 to index
      %get3A_485 = tpu.vector_load %arg9[%get3A_484] {strides = array<i32>} : memref<2560xf32, #tpu.memory_space<vmem>>, vector<16xf32>,
      %add3A_486 = arith.addf %get3A_469, %get3A_473 : vector<16xf32>
      %sub3A = arith.subf %add3A_486, %get3A_477 : vector<16xf32>
      %swap3A = arith.index_cast %mul3A_468 : i32 to index
      %swap3A_487 = tpu.vector_load %arg10[%swap3A] {strides = array<i32>} : memref<512xf32, #tpu.memory_space<vmem>>, vector<16xf32>,
      tpu.vector_store %arg10[%swap3A], %sub3A {strides = array<i32>} : memref<512xf32, #tpu.memory_space<vmem>>, vector<16xf32>,
      %add3A_488 = arith.addf %get3A_481, %get3A_473 : vector<16xf32>
      %sub3A_489 = arith.subf %add3A_488, %get3A_477 : vector<16xf32>
      %swap3A_490 = arith.index_cast %mul3A_468 : i32 to index
      %swap3A_491 = tpu.vector_load %arg11[%swap3A_490] {strides = array<i32>} : memref<512xf32, #tpu.memory_space<vmem>>, vector<16xf32>,
      tpu.vector_store %arg11[%swap3A_490], %sub3A_489 {strides = array<i32>} : memref<512xf32, #tpu.memory_space<vmem>>, vector<16xf32>,
      %add3A_492 = arith.addf %get3A_469, %get3A_473 : vector<16xf32>
      %sub3A_493 = arith.subf %add3A_492, %get3A_485 : vector<16xf32>
      %swap3A_494 = arith.index_cast %mul3A_468 : i32 to index
      %swap3A_495 = tpu.vector_load %arg12[%swap3A_494] {strides = array<i32>} : memref<512xf32, #tpu.memory_space<vmem>>, vector<16xf32>,
      tpu.vector_store %arg12[%swap3A_494], %sub3A_493 {strides = array<i32>} : memref<512xf32, #tpu.memory_space<vmem>>, vector<16xf32>,
    }
    %scan3A_463 = arith.constant 32 : i32
    %mul3A_464 = arith.constant 512 : i32
    %mul3A_465 = arith.muli %add3A, %mul3A_464 : i32
    "tpu.region"() ({
      %run_scoped3A = tpu.sem_alloc : memref<!tpu.dma_semaphore, #tpu.memory_space<semaphore_mem>>
      %dma_start3A_466 = tpu.memref_slice %arg5[%mul3A_465] : memref<16384xf32, #tpu.memory_space<hbm>> -> memref<512xf32, #tpu.memory_space<hbm>>
      %dma_start3A_467 = tpu.memref_slice %arg5[%mul3A_465] : memref<16384xf32, #tpu.memory_space<hbm>> -> memref<512xf32, #tpu.memory_space<hbm>>
      tpu.enqueue_dma source(%arg10 : memref<512xf32, #tpu.memory_space<vmem>>) target(%dma_start3A_467 : memref<512xf32, #tpu.memory_space<hbm>>) target_semaphore(%run_scoped3A : memref<!tpu.dma_semaphore, #tpu.memory_space<semaphore_mem>>)
      %dma_wait3A_468 = tpu.memref_slice %arg5[%mul3A_465] : memref<16384xf32, #tpu.memory_space<hbm>> -> memref<512xf32, #tpu.memory_space<hbm>>
      %dma_wait3A_469 = tpu.memref_slice %arg5[%mul3A_465] : memref<16384xf32, #tpu.memory_space<hbm>> -> memref<512xf32, #tpu.memory_space<hbm>>
      tpu.wait_dma2 semaphore(%run_scoped3A : memref<!tpu.dma_semaphore, #tpu.memory_space<semaphore_mem>>) src(%arg10 : memref<512xf32, #tpu.memory_space<vmem>>) dst(%dma_wait3A_469 : memref<512xf32, #tpu.memory_space<hbm>>)
      tpu.yield
    }) : () -> ()
    "tpu.region"() ({
      %run_scoped3A = tpu.sem_alloc : memref<!tpu.dma_semaphore, #tpu.memory_space<semaphore_mem>>
      %dma_start3A_466 = tpu.memref_slice %arg6[%mul3A_465] : memref<16384xf32, #tpu.memory_space<hbm>> -> memref<512xf32, #tpu.memory_space<hbm>>
      %dma_start3A_467 = tpu.memref_slice %arg6[%mul3A_465] : memref<16384xf32, #tpu.memory_space<hbm>> -> memref<512xf32, #tpu.memory_space<hbm>>
      tpu.enqueue_dma source(%arg11 : memref<512xf32, #tpu.memory_space<vmem>>) target(%dma_start3A_467 : memref<512xf32, #tpu.memory_space<hbm>>) target_semaphore(%run_scoped3A : memref<!tpu.dma_semaphore, #tpu.memory_space<semaphore_mem>>)
      %dma_wait3A_468 = tpu.memref_slice %arg6[%mul3A_465] : memref<16384xf32, #tpu.memory_space<hbm>> -> memref<512xf32, #tpu.memory_space<hbm>>
      %dma_wait3A_469 = tpu.memref_slice %arg6[%mul3A_465] : memref<16384xf32, #tpu.memory_space<hbm>> -> memref<512xf32, #tpu.memory_space<hbm>>
      tpu.wait_dma2 semaphore(%run_scoped3A : memref<!tpu.dma_semaphore, #tpu.memory_space<semaphore_mem>>) src(%arg11 : memref<512xf32, #tpu.memory_space<vmem>>) dst(%dma_wait3A_469 : memref<512xf32, #tpu.memory_space<hbm>>)
      tpu.yield
    }) : () -> ()
    "tpu.region"() ({
      %run_scoped3A = tpu.sem_alloc : memref<!tpu.dma_semaphore, #tpu.memory_space<semaphore_mem>>
      %dma_start3A_466 = tpu.memref_slice %arg7[%mul3A_465] : memref<16384xf32, #tpu.memory_space<hbm>> -> memref<512xf32, #tpu.memory_space<hbm>>
      %dma_start3A_467 = tpu.memref_slice %arg7[%mul3A_465] : memref<16384xf32, #tpu.memory_space<hbm>> -> memref<512xf32, #tpu.memory_space<hbm>>
      tpu.enqueue_dma source(%arg12 : memref<512xf32, #tpu.memory_space<vmem>>) target(%dma_start3A_467 : memref<512xf32, #tpu.memory_space<hbm>>) target_semaphore(%run_scoped3A : memref<!tpu.dma_semaphore, #tpu.memory_space<semaphore_mem>>)
      %dma_wait3A_468 = tpu.memref_slice %arg7[%mul3A_465] : memref<16384xf32, #tpu.memory_space<hbm>> -> memref<512xf32, #tpu.memory_space<hbm>>
      %dma_wait3A_469 = tpu.memref_slice %arg7[%mul3A_465] : memref<16384xf32, #tpu.memory_space<hbm>> -> memref<512xf32, #tpu.memory_space<hbm>>
      tpu.wait_dma2 semaphore(%run_scoped3A : memref<!tpu.dma_semaphore, #tpu.memory_space<semaphore_mem>>) src(%arg12 : memref<512xf32, #tpu.memory_space<vmem>>) dst(%dma_wait3A_469 : memref<512xf32, #tpu.memory_space<hbm>>)
      tpu.yield
    }) : () -> ()
    return
  }
}

module attributes {stable_mosaic.version = 14 : i64} {
  func.func @_tc_body(%arg0: i32, %arg1: memref<64x40960xf32, #tpu.memory_space<vmem>>, %arg2: memref<40960xf32, #tpu.memory_space<vmem>>) attributes {dimension_semantics = [#tpu.dimension_semantics<arbitrary>], iteration_bounds = array<i64: 25>, scalar_prefetch = 0 : i64, scratch_operands = 0 : i64, tpu.core_type = #tpu.core_type<tc>, window_params = [{transform_indices = @transform_0, window_bounds = array<i64: 64, 40960>}, {transform_indices = @transform_1, window_bounds = array<i64: 40960>}]} {
    %get3A = arith.constant 0 : index
    %get3A_0 = arith.constant 0 : index
    %get3A_1 = vector.load %arg1[%get3A, %get3A_0] : memref<64x40960xf32, #tpu.memory_space<vmem>>, vector<64x40960xf32>
    %reduce_sum3A = arith.constant dense<0.000000e+00> : vector<40960xf32>
    %reduce_sum3A_2 = vector.multi_reduction <add>, %get3A_1, %reduce_sum3A [0] : vector<64x40960xf32> to vector<40960xf32>
    %mul3A = arith.mulf %get3A_1, %get3A_1 : vector<64x40960xf32>
    %reduce_sum3A_3 = arith.constant dense<0.000000e+00> : vector<40960xf32>
    %reduce_sum3A_4 = vector.multi_reduction <add>, %mul3A, %reduce_sum3A_3 [0] : vector<64x40960xf32> to vector<40960xf32>
    %rsqrt3A = math.rsqrt %reduce_sum3A_4 : vector<40960xf32>
    %mul3A_5 = arith.mulf %reduce_sum3A_2, %rsqrt3A : vector<40960xf32>
    %swap3A = arith.constant 0 : index
    %swap3A_6 = vector.load %arg2[%swap3A] : memref<40960xf32, #tpu.memory_space<vmem>>, vector<40960xf32>
    tpu.vector_store %arg2[%swap3A], %mul3A_5 {strides = array<i32>} : memref<40960xf32, #tpu.memory_space<vmem>>, vector<40960xf32>,
    return
  }
  func.func @transform_0(%arg0: i32) -> (i32, i32) {
    %c0_i32 = arith.constant 0 : i32
    %c0_i32_0 = arith.constant 0 : i32
    return %c0_i32, %arg0 : i32, i32
  }
  func.func @transform_1(%arg0: i32) -> i32 {
    %c0_i32 = arith.constant 0 : i32
    return %arg0 : i32
  }
}

</mosaic_0001>

<sc_bundles>
// kernel: kernel.4.cloned.1.call-start
scs
__scs_entry_jumppad:
0x0: {  	(pc) =	sbr.rel $0x88, $3  }
0x1: {  	(tag) =	ssettag $0x0;
	lr =	simm.s32 $0x1  }
0x2: {  	[smem:$0x3F9E] =	sst lr;
	_ =	strace $0xD0000000  }
0x3: {  	_ = 	snop  }
0x4: {  	_ = 	snop  }
0x5: {  	_ = 	snop  }
0x6: {  	_ = 	snop  }
0x7: {  	_ = 	snop  }
__scs_overlays_trampoline_lowered:
0x8: {  	[smem:$0x3FAD] =	sst s0  }
0x9: {  	[smem:$0x3FAE] =	sst s1  }
0xa: {  	[smem:$0x3FAF] =	sst s2  }
0xb: {  	[smem:$0x3FB0] =	sst s3  }
0xc: {  	[smem:$0x3FB1] =	sst s4  }
0xd: {  	[smem:$0x3FB2] =	sst s5  }
0xe: {  	[smem:$0x3FB3] =	sst s6  }
0xf: {  	[smem:$0x3FB4] =	sst s7  }
0x10: {  	[smem:$0x3FB5] =	sst s8  }
0x11: {  	[smem:$0x3FB6] =	sst s9;
	s0 =	simm.s32 @!p0 $0x0  }
0x12: {  	s1 =	sld [smem:$0x3F9C];
	s0 =	simm.s32 @p0 $0x1  }
0x13: {  	[smem:$0x3FB7] =	sst s0;
	s0 =	simm.s32 @!p1 $0x0  }
0x14: {  	s2 =	sld [smem:$0x3F9B];
	s0 =	simm.s32 @p1 $0x1  }
0x15: {  	[smem:$0x3FB8] =	sst s0;
	s0 =	simm.s32 @!p2 $0x0  }
0x16: {  	s3 =	sld [smem:$0x3FDB];
	s0 =	simm.s32 @p2 $0x1  }
0x17: {  	s4 =	simm.s32 $0x1BF5;
	[smem:$0x3FBA] =	sst s0  }
0x18: {  	s0 =	sld [smem:$0x3F9D];
	_ =	swait.ge [sflag:s4], $0x0  }
0x19: {  	s7 =	sld [smem:$0x3F9E]  }
0x1a: {  	s8 =	sadd.s32 $0xFFFFE003, lr  }
0x1b: {  	s9 =	sadd.s32 $0xFFFFFEF7, lr;
	s5 =	simm.s32 $0xFFFFFFFF;
	p2 =	slt.u32 s8, $0xFFFFF086  }
0x1c: {  	p1 =	slt.u32 s9, $0xF7A;
	s5 =	simm.s32 @!p2 $0x0  }
0x1d: {  	s5 =	simm.s32 @p1 $0x1;
	p0 =	seq.s32 s7, s2  }
0x1e: {  	s7 =	smul.u32 @!p0 $0xF7A, s2;
	p2 =	seq.s32 @!p0 s5, $0x0  }
0x1f: {  	s9 =	smul.u32 $0xF7A, s1;
	s8 =	simm.s32 @!p0 $0x1BF5;
	p2 =	por !p2, p0  }
0x20: {  	[sflag:s8] =	ssyncset.s32 @!p0 $0xFFFFF086;
	s6 =	sadd.s32 @!p0 s3, s7;
	s7 =	simm.s32 @!p0 $0x108  }
0x21: {  	s3 =	sadd.s32 s3, s9;
	s6 =	sadd.s32 @!p0 $0x88, s6;
	s7 =	simm.s32 @p2 $0x1082  }
0x22: {  	[simem:s7], [sflag:s8] =	dma.local @!p0 [hbm:s6], $0xF7A  }
0x23: {  	s9 =	sor.u32 $0xD0000000, s2;
	s6 =	simm.s32 $0x108;
	_ =	swait.ge @!p0 [sflag:s8], $0x0  }
0x24: {  	s3 =	sadd.s32 $0x88, s3;
	s6 =	simm.s32 @!p1 $0x1082;
	[sflag:s4] =	ssyncset.s32 $0xFFFFF086  }
0x25: {  	[simem:s6], [sflag:s4] =	dma.local [hbm:s3], $0xF7A  }
0x26: {  	[smem:$0x3F9E] =	sst s1;
	(tag) =	ssettag s2;
	_ =	strace s9  }
0x27: {  	s1 =	sld [smem:$0x3FAE]  }
0x28: {  	s2 =	sld [smem:$0x3FAF]  }
0x29: {  	s4 =	sld [smem:$0x3FB1]  }
0x2a: {  	p0 =	seq.s32 s5, $0x0;
	s5 =	sld [smem:$0x3FB2]  }
0x2b: {  	s6 =	sld [smem:$0x3FB3]  }
0x2c: {  	s7 =	sld [smem:$0x3FB4]  }
0x2d: {  	s3 =	simm.s32 $0x108;
	s8 =	sld [smem:$0x3FB5]  }
0x2e: {  	s3 =	simm.s32 @!p0 $0x1082;
	s9 =	sld [smem:$0x3FB6]  }
0x2f: {  	lr =	sadd.s32 s0, s3;
	s0 =	sld [smem:$0x3FAD]  }
0x30: {  	s3 =	sld [smem:$0x3FB0]  }
0x31: {  	[smem:$0x3FB9] =	sst s10  }
0x32: {  	s10 =	sld [smem:$0x3FB7];
	_ =	sdelay $0x3  }
0x33: {  	p0 =	seq.s32 s10, $0x1;
	s10 =	sld [smem:$0x3FB9];
	_ =	sdelay $0x3  }
0x34: {  	[smem:$0x3FB9] =	sst s10  }
0x35: {  	s10 =	sld [smem:$0x3FB8];
	_ =	sdelay $0x3  }
0x36: {  	p1 =	seq.s32 s10, $0x1;
	s10 =	sld [smem:$0x3FB9];
	_ =	sdelay $0x3  }
0x37: {  	[smem:$0x3FB9] =	sst s10  }
0x38: {  	s10 =	sld [smem:$0x3FBA]  }
0x39: {  	_ = 	snop;
	(pc) =	sbr.ind lr, $3  }
0x3a: {  	_ = 	snop  }
0x3b: {  	_ = 	snop  }
0x3c: {  	p2 =	seq.s32 s10, $0x1;
	s10 =	sld [smem:$0x3FB9]  }
0x3d: {  	_ =	shalt  }
0x3e: {  	_ =	shalt  }
0x3f: {  	_ =	shalt  }
0x40: {  	_ =	shalt  }
0x41: {  	_ =	shalt  }
0x42: {  	_ =	shalt  }
0x43: {  	_ =	shalt  }
0x44: {  	_ =	shalt  }
0x45: {  	_ =	shalt  }
0x46: {  	_ =	shalt  }
0x47: {  	_ =	shalt  }
0x48: {  	_ =	shalt  }
0x49: {  	_ =	shalt  }
0x4a: {  	_ =	shalt  }
0x4b: {  	_ =	shalt  }
0x4c: {  	_ =	shalt  }
0x4d: {  	_ =	shalt  }
0x4e: {  	_ =	shalt  }
0x4f: {  	_ =	shalt  }
0x50: {  	_ =	shalt  }
0x51: {  	_ =	shalt  }
0x52: {  	_ =	shalt  }
0x53: {  	_ =	shalt  }
0x54: {  	_ =	shalt  }
0x55: {  	_ =	shalt  }
0x56: {  	_ =	shalt  }
0x57: {  	_ =	shalt  }
0x58: {  	_ =	shalt  }
0x59: {  	_ =	shalt  }
0x5a: {  	_ =	shalt  }
0x5b: {  	_ =	shalt  }
0x5c: {  	_ =	shalt  }
0x5d: {  	_ =	shalt  }
0x5e: {  	_ =	shalt  }
0x5f: {  	_ =	shalt  }
0x60: {  	_ =	shalt  }
0x61: {  	_ =	shalt  }
0x62: {  	_ =	shalt  }
0x63: {  	_ =	shalt  }
0x64: {  	_ =	shalt  }
0x65: {  	_ =	shalt  }
0x66: {  	_ =	shalt  }
0x67: {  	_ =	shalt  }
0x68: {  	_ =	shalt  }
0x69: {  	_ =	shalt  }
0x6a: {  	_ =	shalt  }
0x6b: {  	_ =	shalt  }
0x6c: {  	_ =	shalt  }
0x6d: {  	_ =	shalt  }
0x6e: {  	_ =	shalt  }
0x6f: {  	_ =	shalt  }
0x70: {  	_ =	shalt  }
0x71: {  	_ =	shalt  }
0x72: {  	_ =	shalt  }
0x73: {  	_ =	shalt  }
0x74: {  	_ =	shalt  }
0x75: {  	_ =	shalt  }
0x76: {  	_ =	shalt  }
0x77: {  	_ =	shalt  }
0x78: {  	_ =	shalt  }
0x79: {  	_ =	shalt  }
0x7a: {  	_ =	shalt  }
0x7b: {  	_ =	shalt  }
0x7c: {  	_ =	shalt  }
0x7d: {  	_ =	shalt  }
0x7e: {  	_ =	shalt  }
0x7f: {  	_ =	shalt  }
0x80: {  	_ =	shalt  }
0x81: {  	_ =	shalt  }
0x82: {  	_ =	shalt  }
0x83: {  	_ =	shalt  }
0x84: {  	_ =	shalt  }
0x85: {  	_ =	shalt  }
0x86: {  	_ =	shalt  }
0x87: {  	_ =	shalt  }
.Lfunc_end0:
.L_simem_size_0:
called_computation_lowered:
.L_overlay_start_0:
0x88: {  	s2 =	sld [smem:$0x3FD9]  }
0x89: {  	s3 =	sld [smem:$0x3FFE];
	_ =	sdelay $0x1  }
0x8a: {  	s1 =	srdreg.scid  }
0x8b: {  	s0 =	sand.u32 $0x1, s1  }
0x8c: {  	s14 =	sshll.u32 s0, $0xA;
	s2 =	sadd.s32 s3, s2  }
0x8d: {  	s2 =	sadd.s32 s2, s14  }
0x8e: {  	[smem:$0x3FC5] =	sst s2  }
0x8f: {  	_ = 	snop  }
0x90: {  	s2 =	sld [smem:$0x3FD0];
	_ =	sdelay $0x2  }
0x91: {  	s15 =	simm.s32 $0xA;
	s4 =	simm.s32 $0x10  }
0x92: {  	[smem:s4], [sflag:s15] =	dma.local [hbm:s2], $0x1  }
0x93: {  	_ =	swait.eq [sflag:s15], $0x1  }
0x94: {  	s16 =	sld [smem:$0x10];
	[sflag:s15] =	ssyncset.done $0x0  }
0x95: {  	s17 =	sld [smem:$0x11];
	[sflag:s15] =	ssyncadd.s32 $0xFFFFFFFF  }
0x96: {  	s18 =	sld [smem:$0x12];
	(tm) =	ssettm $0x1  }
0x97: {  	s5 =	sld [smem:$0x3FFB];
	_ =	sdelay $0x3  }
0x98: {  	_ =	strace s5  }
0x99: {  	s5 =	sld [smem:$0x3FFC];
	_ =	sdelay $0x3  }
0x9a: {  	_ =	strace s5  }
0x9b: {  	s5 =	sld [smem:$0x3FFD];
	_ =	sdelay $0x3  }
0x9c: {  	_ =	strace s5  }
0x9d: {  	_ =	strace $0x8FFFFFFF  }
0x9e: {  	s19 =	sld [smem:$0x3FDB];
	_ =	sdelay $0x1  }
0x9f: {  	s6 =	simm.s32 $_scs_section_size  }
0xa0: {  	s7 =	simm.s32 $_size__tile_overlayer_lowered;
	s8 =	simm.s32 $_tile_overlayer_lowered  }
0xa1: {  	s22 =	simm.s32 $0x1BFF;
	s21 =	sshll.u32 s8, $0x1;
	s5 =	sadd.s32 s6, s19  }
0xa2: {  	s9 =	simm.s32 $0x0;
	s20 =	sshll.u32 s7, $0x1;
	s7 =	sadd.s32 s21, s5  }
0xa3: {  	[timem:s9], [sflag:s22] =	dma.local [hbm:s7], s20  }
0xa4: {  	_ =	swait.ge [sflag:s22], s20  }
0xa5: {  	s6 =	ssub.s32 $0x0, s20;
	[sflag:s22] =	ssyncset.done $0x0  }
0xa6: {  	[sflag:s22] =	ssyncadd.s32 s6;
	_ =	sdelay $0x1  }
0xa7: {  	s23 =	simm.s32 $0x1B8B  }
0xa8: {  	_ =	swait.ge [sflag:s23], $0x1  }
0xa9: {  	[sflag:s23] =	ssyncset.done $0x0  }
0xaa: {  	s25 =	simm.s32 $0x1B8E;
	s24 =	sld [smem:$0x3FFE];
	[sflag:s23] =	ssyncadd.s32 $0xFFFFFFFF  }
0xab: {  	s26 =	simm.s32 $execute0_lowered;
	[smem:$0x3FD2] =	sst s25  }
0xac: {  	s7 =	sshll.u32 s26, $0x1;
	_ =	strace $0x80000046;
	[dreg:$0x1] =	wrdreg $0xFFFFFFFF  }
0xad: {  	s28 =	simm.s32 $_size_execute0_lowered;
	s5 =	sadd.s32 s5, s7;
	[dreg:$0x0] =	wrdreg $0x0  }
0xae: {  	s7 =	sshll.u32 s28, $0x1;
	[dreg:$0x2] =	wrdreg s5  }
0xaf: {  	[dreg:$0x3] =	wrdreg s7  }
0xb0: {  	[dreg:$0x4] =	wrdreg $0xC0  }
0xb1: {  	_ =	task [dreg:s9], $0x5FFFF  }
0xb2: {  	[dreg:$0x1] =	wrdreg $0xFFFFFFFF  }
0xb3: {  	[dreg:$0x0] =	wrdreg $0x60  }
0xb4: {  	[dreg:$0x2] =	wrdreg s24  }
0xb5: {  	[dreg:$0x3] =	wrdreg s16  }
0xb6: {  	[dreg:$0x4] =	wrdreg s17  }
0xb7: {  	[dreg:$0x5] =	wrdreg s18  }
0xb8: {  	[dreg:$0x6] =	wrdreg $0x9  }
0xb9: {  	_ =	task.clear_ibuf [dreg:s9], $0x7FFFF;
	_ =	strace $0x90000046  }
0xba: {  	s29 =	simm.s32 $0x9;
	_ =	strace $0x80000048  }
0xbb: {  	_ =	swait.ge [sflag:s29], $0x1  }
0xbc: {  	[sflag:s29] =	ssyncadd.s32 $0xFFFFFFFF  }
0xbd: {  	_ =	strace $0x90000048  }
0xbe: {  	_ =	sfence  }
0xbf: {  	s30 =	sld [smem:$0x0];
	_ =	sdelay $0x2  }
0xc0: {  	s31 =	sshll.u32 s1, $0xD;
	s1 =	sshrl.u32 s1, $0x2  }
0xc1: {  	s3 =	sand.u32 $0x4000, s31;
	s1 =	sadd.s32 s1, s30  }
0xc2: {  	s0 =	sor.u32 s3, s0;
	s1 =	sshll.u32 s1, $0x11  }
0xc3: {  	s0 =	sor.u32 s1, s0  }
0xc4: {  	s0 =	sadd.s32 $0x8F2B, s0  }
0xc5: {  	[sflag:s0] =	ssyncadd.remote.s32 $0x1  }
0xc6: {  	_ =	sfence.sel $0xFFFF  }
0xc7: {  	[dreg:$0x0] =	wrdreg $0xFFFFFFFF;
	(pc) =	sbr.abs _section_cstart, $3  }
0xc8: {  	[dreg:$0x1] =	wrdreg $0xFFFFFFFF  }
0xc9: {  	_ =	task.clear_ibuf [dreg:s9], $0x2FFFF;
	_ =	strace $0x9FFFFFFF  }
0xca: {  	(tm) =	ssettm $0x7FFFFFFF  }
0xcb: {  	_ =	shalt  }
tec
execute0_lowered:
.L_overlay_start_1:
0x0: {  	(tag) =	ssettag $0x1  }
0x1: {  	s0 =	rddreg [dreg:$0x0]  }
0x2: {  	s2 =	rddreg [dreg:$0x1]  }
0x3: {  	s10 =	rddreg [dreg:$0x2]  }
0x4: {  	s11 =	rddreg [dreg:$0x3];
	s1 =	simm.s32 $0x0;
	s3 =	srdreg.scid  }
0x5: {  	s6 =	stileid.u32;
	s13 =	simm.s32 $0x200;
	s14 =	simm.s32 $0x400  }
0x6: {  	s15 =	simm.s32 $0x600;
	s16 =	simm.s32 $0x800;
	s17 =	simm.s32 $0x2  }
0x7: {  	s18 =	simm.s32 $0x80;
	s21 =	simm.s32 $0x900;
	s22 =	simm.s32 $0x1300  }
0x8: {  	s23 =	simm.s32 $0x980;
	s24 =	simm.s32 $0x1380;
	s25 =	simm.s32 $0x1  }
0x9: {  	s28 =	simm.s32 $0x3;
	s29 =	simm.s32 $0x1600;
	s30 =	simm.s32 $0x1800  }
0xa: {  	s31 =	simm.s32 $0x0;
	[smem:$0x7FF] =	sst s1;
	s5 =	sadd.s32 $0x1A00, s0  }
0xb: {  	s8 =	sadd.s32 $0xA00, s0;
	s3 =	sand.u32 $0x1, s3;
	s6 =	sshll.u32 s6, $0x7  }
0xc: {  	_ =	strace $0x80000047;
	s4 =	ssub.s32 $0x2, s3;
	s7 =	sshll.u32 s3, $0x6  }
0xd: {  	s3 =	sadd.s32 $0x3200, s0;
	s26 =	sshrl.u32 s4, $0x1;
	s12 =	sor.u32 s7, s6  }
0xe: {  	s0 =	ssub.s32 s4, s26;
	s4 =	sadd.s32 s5, s12;
	s9 =	sor.u32 $0x800, s12  }
0xf: {  	s7 =	sadd.s32 s8, s12;
	s10 =	sadd.s32 s10, s12;
	s11 =	sadd.s32 s11, s12  }
0x10: {  	s26 =	simm.s32 $0x1400;
	s5 =	sadd.s32 s5, s9;
	s6 =	sadd.s32 $0x1000, s4  }
0x11: {  	s8 =	sadd.s32 s8, s9;
	s9 =	sadd.s32 s2, s12;
	s12 =	smax.u32 s0, $0x1  }
.LBB2_1:
0x12: {  	[tilespmem:s1], [sflag:$0x2] =	stream.linear.gather [hbm4b:s4+s1], $0x200, $0x38;
	[tilespmem:$0x1A00] =	vst v63  }
0x13: {  	_ = 	snop  }
0x14: {  	[tilespmem:s13], [sflag:$0x2] =	stream.linear.gather [hbm4b:s5+s1], $0x200, $0x38;
	[tilespmem:$0x1A00] =	vst v63  }
0x15: {  	_ = 	snop  }
0x16: {  	[tilespmem:s14], [sflag:$0x2] =	stream.linear.gather [hbm4b:s6+s1], $0x200, $0x38;
	[tilespmem:$0x1A00] =	vst v63  }
0x17: {  	_ = 	snop  }
0x18: {  	[tilespmem:s15], [sflag:$0x2] =	stream.linear.gather [hbm4b:s7+s1], $0x200, $0x38;
	[tilespmem:$0x1A00] =	vst v63  }
0x19: {  	_ = 	snop  }
0x1a: {  	[tilespmem:s16], [sflag:$0x2] =	stream.linear.gather [hbm4b:s8+s1], $0x200, $0x38;
	[tilespmem:$0x1A00] =	vst v63  }
0x1b: {  	_ =	swait.ge [sflag:s17], $0x200  }
0x1c: {  	[sflag:s17] =	ssyncset.done $0x0  }
0x1d: {  	[sflag:s17] =	ssyncadd.s32 $0xFFFFFE00  }
0x1e: {  	_ =	swait.ge [sflag:s17], $0x200  }
0x1f: {  	[sflag:s17] =	ssyncset.done $0x0  }
0x20: {  	[sflag:s17] =	ssyncadd.s32 $0xFFFFFE00  }
0x21: {  	_ =	swait.ge [sflag:s17], $0x200  }
0x22: {  	[sflag:s17] =	ssyncset.done $0x0  }
0x23: {  	[sflag:s17] =	ssyncadd.s32 $0xFFFFFE00  }
0x24: {  	_ =	swait.ge [sflag:s17], $0x200  }
0x25: {  	[sflag:s17] =	ssyncset.done $0x0  }
0x26: {  	[sflag:s17] =	ssyncadd.s32 $0xFFFFFE00  }
0x27: {  	_ =	swait.ge [sflag:s17], $0x200  }
0x28: {  	[sflag:s17] =	ssyncset.done $0x0  }
0x29: {  	s0 =	simm.s32 $0xA00;
	[sflag:s17] =	ssyncadd.s32 $0xFFFFFE00  }
0x2a: {  	[tilespmem:s0], [sflag:$0x1] =	stream.indirect.gather [hbm4b:s3+s18], $0x1, s1, s18, $0xb8;
	[tilespmem:$0x1A00] =	vst v63  }
0x2b: {  	s19 =	simm.s32 $0xA80  }
0x2c: {  	[tilespmem:s19], [sflag:$0x1] =	stream.indirect.gather [hbm4b:s3+s18], $0x1, s18, s18, $0xb8;
	[tilespmem:$0x1A00] =	vst v63  }
0x2d: {  	s20 =	simm.s32 $0x100;
	s2 =	simm.s32 $0xB00  }
0x2e: {  	[tilespmem:s2], [sflag:$0x1] =	stream.indirect.gather [hbm4b:s3+s18], $0x1, s20, s18, $0xb8;
	[tilespmem:$0x1A00] =	vst v63  }
0x2f: {  	s19 =	simm.s32 $0x180;
	s20 =	simm.s32 $0xB80  }
0x30: {  	[tilespmem:s20], [sflag:$0x1] =	stream.indirect.gather [hbm4b:s3+s18], $0x1, s19, s18, $0xb8;
	[tilespmem:$0x1A00] =	vst v63  }
0x31: {  	s2 =	simm.s32 $0xC00  }
0x32: {  	[tilespmem:s2], [sflag:$0x1] =	stream.indirect.gather [hbm4b:s3+s18], $0x1, s13, s18, $0xb8;
	[tilespmem:$0x1A00] =	vst v63  }
0x33: {  	s19 =	simm.s32 $0x280;
	s20 =	simm.s32 $0xC80  }
0x34: {  	[tilespmem:s20], [sflag:$0x1] =	stream.indirect.gather [hbm4b:s3+s18], $0x1, s19, s18, $0xb8;
	[tilespmem:$0x1A00] =	vst v63  }
0x35: {  	s19 =	simm.s32 $0x300;
	s20 =	simm.s32 $0xD00  }
0x36: {  	[tilespmem:s20], [sflag:$0x1] =	stream.indirect.gather [hbm4b:s3+s18], $0x1, s19, s18, $0xb8;
	[tilespmem:$0x1A00] =	vst v63  }
0x37: {  	s19 =	simm.s32 $0x380;
	s20 =	simm.s32 $0xD80  }
0x38: {  	[tilespmem:s20], [sflag:$0x1] =	stream.indirect.gather [hbm4b:s3+s18], $0x1, s19, s18, $0xb8;
	[tilespmem:$0x1A00] =	vst v63  }
0x39: {  	s2 =	simm.s32 $0xE00  }
0x3a: {  	[tilespmem:s2], [sflag:$0x1] =	stream.indirect.gather [hbm4b:s3+s18], $0x1, s14, s18, $0xb8;
	[tilespmem:$0x1A00] =	vst v63  }
0x3b: {  	s19 =	simm.s32 $0x480;
	s20 =	simm.s32 $0xE80  }
0x3c: {  	[tilespmem:s20], [sflag:$0x1] =	stream.indirect.gather [hbm4b:s3+s18], $0x1, s19, s18, $0xb8;
	[tilespmem:$0x1A00] =	vst v63  }
0x3d: {  	s19 =	simm.s32 $0x500;
	s20 =	simm.s32 $0xF00  }
0x3e: {  	[tilespmem:s20], [sflag:$0x1] =	stream.indirect.gather [hbm4b:s3+s18], $0x1, s19, s18, $0xb8;
	[tilespmem:$0x1A00] =	vst v63  }
0x3f: {  	s19 =	simm.s32 $0x580;
	s20 =	simm.s32 $0xF80  }
0x40: {  	[tilespmem:s20], [sflag:$0x1] =	stream.indirect.gather [hbm4b:s3+s18], $0x1, s19, s18, $0xb8;
	[tilespmem:$0x1A00] =	vst v63  }
0x41: {  	s2 =	simm.s32 $0x1000  }
0x42: {  	[tilespmem:s2], [sflag:$0x1] =	stream.indirect.gather [hbm4b:s3+s18], $0x1, s15, s18, $0xb8;
	[tilespmem:$0x1A00] =	vst v63  }
0x43: {  	s19 =	simm.s32 $0x680;
	s20 =	simm.s32 $0x1080  }
0x44: {  	[tilespmem:s20], [sflag:$0x1] =	stream.indirect.gather [hbm4b:s3+s18], $0x1, s19, s18, $0xb8;
	[tilespmem:$0x1A00] =	vst v63  }
0x45: {  	s19 =	simm.s32 $0x700;
	s20 =	simm.s32 $0x1100  }
0x46: {  	[tilespmem:s20], [sflag:$0x1] =	stream.indirect.gather [hbm4b:s3+s18], $0x1, s19, s18, $0xb8;
	[tilespmem:$0x1A00] =	vst v63  }
0x47: {  	s19 =	simm.s32 $0x780;
	s20 =	simm.s32 $0x1180  }
0x48: {  	[tilespmem:s20], [sflag:$0x1] =	stream.indirect.gather [hbm4b:s3+s18], $0x1, s19, s18, $0xb8;
	[tilespmem:$0x1A00] =	vst v63  }
0x49: {  	s2 =	simm.s32 $0x1200  }
0x4a: {  	[tilespmem:s2], [sflag:$0x1] =	stream.indirect.gather [hbm4b:s3+s18], $0x1, s16, s18, $0xb8;
	[tilespmem:$0x1A00] =	vst v63  }
0x4b: {  	s19 =	simm.s32 $0x880;
	s20 =	simm.s32 $0x1280  }
0x4c: {  	[tilespmem:s20], [sflag:$0x1] =	stream.indirect.gather [hbm4b:s3+s18], $0x1, s19, s18, $0xb8;
	[tilespmem:$0x1A00] =	vst v63  }
0x4d: {  	_ = 	snop  }
0x4e: {  	[tilespmem:s22], [sflag:$0x1] =	stream.indirect.gather [hbm4b:s3+s18], $0x1, s21, s18, $0xb8;
	[tilespmem:$0x1A00] =	vst v63  }
0x4f: {  	_ = 	snop  }
0x50: {  	[tilespmem:s24], [sflag:$0x1] =	stream.indirect.gather [hbm4b:s3+s18], $0x1, s23, s18, $0xb8;
	[tilespmem:$0x1A00] =	vst v63  }
0x51: {  	_ =	swait.ge [sflag:s25], $0x80  }
0x52: {  	[sflag:s25] =	ssyncset.done $0x0  }
0x53: {  	[sflag:s25] =	ssyncadd.s32 $0xFFFFFF80  }
0x54: {  	_ =	swait.ge [sflag:s25], $0x80  }
0x55: {  	[sflag:s25] =	ssyncset.done $0x0  }
0x56: {  	[sflag:s25] =	ssyncadd.s32 $0xFFFFFF80  }
0x57: {  	_ =	swait.ge [sflag:s25], $0x80  }
0x58: {  	[sflag:s25] =	ssyncset.done $0x0  }
0x59: {  	[sflag:s25] =	ssyncadd.s32 $0xFFFFFF80  }
0x5a: {  	_ =	swait.ge [sflag:s25], $0x80  }
0x5b: {  	[sflag:s25] =	ssyncset.done $0x0  }
0x5c: {  	[sflag:s25] =	ssyncadd.s32 $0xFFFFFF80  }
0x5d: {  	_ =	swait.ge [sflag:s25], $0x80  }
0x5e: {  	[sflag:s25] =	ssyncset.done $0x0  }
0x5f: {  	[sflag:s25] =	ssyncadd.s32 $0xFFFFFF80  }
0x60: {  	_ =	swait.ge [sflag:s25], $0x80  }
0x61: {  	[sflag:s25] =	ssyncset.done $0x0  }
0x62: {  	[sflag:s25] =	ssyncadd.s32 $0xFFFFFF80  }
0x63: {  	_ =	swait.ge [sflag:s25], $0x80  }
0x64: {  	[sflag:s25] =	ssyncset.done $0x0  }
0x65: {  	[sflag:s25] =	ssyncadd.s32 $0xFFFFFF80  }
0x66: {  	_ =	swait.ge [sflag:s25], $0x80  }
0x67: {  	[sflag:s25] =	ssyncset.done $0x0  }
0x68: {  	[sflag:s25] =	ssyncadd.s32 $0xFFFFFF80  }
0x69: {  	_ =	swait.ge [sflag:s25], $0x80  }
0x6a: {  	[sflag:s25] =	ssyncset.done $0x0  }
0x6b: {  	[sflag:s25] =	ssyncadd.s32 $0xFFFFFF80  }
0x6c: {  	_ =	swait.ge [sflag:s25], $0x80  }
0x6d: {  	[sflag:s25] =	ssyncset.done $0x0  }
0x6e: {  	[sflag:s25] =	ssyncadd.s32 $0xFFFFFF80  }
0x6f: {  	_ =	swait.ge [sflag:s25], $0x80  }
0x70: {  	[sflag:s25] =	ssyncset.done $0x0  }
0x71: {  	[sflag:s25] =	ssyncadd.s32 $0xFFFFFF80  }
0x72: {  	_ =	swait.ge [sflag:s25], $0x80  }
0x73: {  	[sflag:s25] =	ssyncset.done $0x0  }
0x74: {  	[sflag:s25] =	ssyncadd.s32 $0xFFFFFF80  }
0x75: {  	_ =	swait.ge [sflag:s25], $0x80  }
0x76: {  	[sflag:s25] =	ssyncset.done $0x0  }
0x77: {  	[sflag:s25] =	ssyncadd.s32 $0xFFFFFF80  }
0x78: {  	_ =	swait.ge [sflag:s25], $0x80  }
0x79: {  	[sflag:s25] =	ssyncset.done $0x0  }
0x7a: {  	[sflag:s25] =	ssyncadd.s32 $0xFFFFFF80  }
0x7b: {  	_ =	swait.ge [sflag:s25], $0x80  }
0x7c: {  	[sflag:s25] =	ssyncset.done $0x0  }
0x7d: {  	[sflag:s25] =	ssyncadd.s32 $0xFFFFFF80  }
0x7e: {  	_ =	swait.ge [sflag:s25], $0x80  }
0x7f: {  	[sflag:s25] =	ssyncset.done $0x0  }
0x80: {  	[sflag:s25] =	ssyncadd.s32 $0xFFFFFF80  }
0x81: {  	_ =	swait.ge [sflag:s25], $0x80  }
0x82: {  	[sflag:s25] =	ssyncset.done $0x0  }
0x83: {  	[sflag:s25] =	ssyncadd.s32 $0xFFFFFF80  }
0x84: {  	_ =	swait.ge [sflag:s25], $0x80  }
0x85: {  	[sflag:s25] =	ssyncset.done $0x0  }
0x86: {  	[sflag:s25] =	ssyncadd.s32 $0xFFFFFF80  }
0x87: {  	_ =	swait.ge [sflag:s25], $0x80  }
0x88: {  	[sflag:s25] =	ssyncset.done $0x0  }
0x89: {  	[sflag:s25] =	ssyncadd.s32 $0xFFFFFF80  }
0x8a: {  	_ =	swait.ge [sflag:s25], $0x80  }
0x8b: {  	[sflag:s25] =	ssyncset.done $0x0  }
0x8c: {  	s2 =	simm.s32 $0x0;
	[sflag:s25] =	ssyncadd.s32 $0xFFFFFF80  }
0x8d: {  	v1 =	vld [tilespmem:s2+$0xA00]  }
0x8e: {  	v2 =	vld [tilespmem:s2+$0xC00]  }
0x8f: {  	v3 =	vld [tilespmem:s2+$0x1000]  }
0x90: {  	v5 =	vld [tilespmem:s2+$0x1200]  }
0x91: {  	v7 =	vld [tilespmem:s2+$0xE00]  }
0x92: {  	s0 =	simm.s32 $0x10  }
0x93: {  	v0 =	vld [tilespmem:s0+$0xA00];
	v6 =	vadd.f32 v2, v1  }
0x94: {  	v1 =	vld [tilespmem:s0+$0xC00]  }
0x95: {  	v4 =	vld [tilespmem:s0+$0x1000];
	v8 =	vadd.f32 v3, v2;
	v9 =	vsub.f32 v6, v5  }
0x96: {  	v3 =	vld [tilespmem:s0+$0x1200];
	v6 =	vsub.f32 v6, v7  }
0x97: {  	s19 =	simm.s32 $0x80;
	v2 =	vld [tilespmem:s0+$0xE00];
	v5 =	vsub.f32 v8, v7;
	[tilespmem:s2+$0x1800] =	vst v9  }
.LBB2_2:
0x98: {  	s20 =	sshra.s32 s19, $0x2;
	[tilespmem:s2+$0x1400] =	vst v6;
	p0 =	sne.s32 s19, $0x7C0  }
.Ltmp0:
0x99: {  	s19 =	sadd.s32 $0x40, s19;
	v6 =	vadd.f32 v1, v0;
	v0 =	vld [tilespmem:s20+$0xA00];
	[tilespmem:s2+$0x1600] =	vst v5;
	(pc) =	sbr.rel @p0 .LBB2_2-.Ltmp0, $4  }
0x9a: {  	s2 =	smov.u32 s0;
	s0 =	smov.u32 s20;
	v5 =	vadd.f32 v4, v1;
	v1 =	vld [tilespmem:s20+$0xC00]  }
0x9b: {  	v4 =	vld [tilespmem:s0+$0x1000];
	v7 =	vsub.f32 v6, v3  }
0x9c: {  	v3 =	vld [tilespmem:s0+$0x1200];
	v6 =	vsub.f32 v6, v2;
	v5 =	vsub.f32 v5, v2  }
0x9d: {  	v2 =	vld [tilespmem:s0+$0xE00];
	[tilespmem:s2+$0x1800] =	vst v7  }
0x9e: {  	_ = 	snop  }
0x9f: {  	v0 =	vadd.f32 v1, v0;
	_ =	sdelay $0x1  }
0xa0: {  	[tilespmem:s2+$0x1400] =	vst v6;
	v63 =	vadd.f32 v4, v1;
	v3 =	vsub.f32 v0, v3  }
0xa1: {  	[tilespmem:s2+$0x1600] =	vst v5;
	v0 =	vsub.f32 v0, v2  }
0xa2: {  	v1 =	vsub.f32 v63, v2;
	[tilespmem:s0+$0x1800] =	vst v3  }
0xa3: {  	[tilespmem:s0+$0x1400] =	vst v0  }
0xa4: {  	[tilespmem:s0+$0x1600] =	vst v1  }
0xa5: {  	[hbm4b:s9+s1] =	stream.linear.scatter [tilespmem:s26], [sflag:$0x3], $0x200, $0x38;
	[tilespmem:$0x1A00] =	vst v63  }
0xa6: {  	_ =	swait.ge [sflag:s28], $0x200  }
0xa7: {  	[sflag:s28] =	ssyncset.done $0x0  }
0xa8: {  	[sflag:s28] =	ssyncadd.s32 $0xFFFFFE00  }
0xa9: {  	[hbm4b:s10+s1] =	stream.linear.scatter [tilespmem:s29], [sflag:$0x3], $0x200, $0x38;
	[tilespmem:$0x1A00] =	vst v63  }
0xaa: {  	s31 =	sadd.s32 $0x1, s31;
	_ =	swait.ge [sflag:s28], $0x200  }
0xab: {  	p0 =	sne.s32 s31, s12;
	[sflag:s28] =	ssyncset.done $0x0  }
.Ltmp1:
0xac: {  	[sflag:s28] =	ssyncadd.s32 $0xFFFFFE00;
	(pc) =	sbr.rel @p0 .LBB2_1-.Ltmp1, $4  }
0xad: {  	[hbm4b:s11+s1] =	stream.linear.scatter [tilespmem:s30], [sflag:$0x3], $0x200, $0x38;
	[tilespmem:$0x1A00] =	vst v63  }
0xae: {  	_ =	swait.ge [sflag:s28], $0x200  }
0xaf: {  	[sflag:s28] =	ssyncset.done $0x0  }
0xb0: {  	[sflag:s28] =	ssyncadd.s32 $0xFFFFFE00  }
0xb1: {  	_ =	sfence.sel $0x180000  }
0xb2: {  	[bflag:$0x0] =	sbarrier.arrive $0xFFFF  }
0xb3: {  	_ =	strace $0x90000047  }
0xb4: {  	s0 =	stileid.u32;
	[bflag:$0x2] =	sbarrier.arrive $0xFFFF  }
0xb5: {  	p0 =	sne.s32 s0, $0x0;
	s0 =	rddreg [dreg:$0x4]  }
0xb6: {  	s0 =	sadd.s32 @!p0 $0x100000, s0  }
0xb7: {  	[sflag:s0] =	ssyncadd.tile.s32 @!p0 $0x1;
	_ =	shalt  }
.Lfunc_end2:
_tile_overlayer_lowered:
.L_overlay_start_2:
0xb8: {  	(tag) =	ssettag $0x2  }
0xb9: {  	s0 =	rddreg [dreg:$0x0];
	s2 =	stileid.u32  }
0xba: {  	s1 =	rddreg [dreg:$0x1];
	p0 =	sne.s32 s2, $0x0  }
0xbb: {  	s3 =	rddreg [dreg:$0x2];
	[bflag:$0x3] =	sbarrier.arrive $0xFFFF;
	s2 =	simm.s32 @!p0 $0x1C03  }
0xbc: {  	[timem:s3], [sflag:s2] =	dma.local @!p0 [hbm:s0], s1  }
0xbd: {  	s0 =	simm.s32 @!p0 $0x3  }
0xbe: {  	_ =	swait.ge @!p0 [sflag:s0], s1  }
0xbf: {  	s1 =	ssub.s32 @!p0 $0x0, s1;
	[sflag:s0] =	ssyncset.done @!p0 $0x0  }
0xc0: {  	[sflag:s0] =	ssyncadd.s32 @!p0 s1  }
0xc1: {  	[bflag:$0x3] =	sbarrier.arrive $0xFFFF  }
0xc2: {  	_ =	shalt  }

</sc_bundles>
